<compile_context>
chip_gen: v7x
topology: tpu7x:2x2x1
jax: 0.10.2.dev20260603
libtpu: 0.0.44.dev20260713+nightly
codegen_flags: <defaults>
</compile_context>

<pallas_src>
import functools

import jax
import jax.numpy as jnp
from jax import lax
from jax.experimental import pallas as pl
from jax.experimental.pallas import tpu as pltpu
from jax.experimental.pallas import tpu_sc as plsc

N = 10000
E = 320000
D = 128
H = 128
F2 = 64
T = 16
G = 64

NC = 2
NS = 16
NW = NC * NS
EPW = E // NW
CH = 128
NCHP = 80
ACC_ROWS = 10112
RPT = ACC_ROWS // NS
DUMMY = ACC_ROWS - 1


def _fill_f32(ref, rows, cols, value):
    cchunks = cols // 16
    v = jnp.full((16,), value, jnp.float32)

    def body(k, _):
        r = k // cchunks
        c = (k % cchunks) * 16
        ref[r, pl.ds(c, 16)] = v
        return 0

    lax.fori_loop(0, rows * cchunks, body, 0)


OFFS = tuple(range(0, RPT - CH, CH)) + (RPT - CH,)


def _sc_degree(dst3, idx3):
    mesh = plsc.VectorSubcoreMesh(core_axis_name="c", subcore_axis_name="s")

    @functools.partial(
        pl.kernel,
        out_type=jax.ShapeDtypeStruct((NC, ACC_ROWS, 16), jnp.float32),
        mesh=mesh,
        scratch_types=[
            pltpu.VMEM((NCHP, CH), jnp.int32),
            pltpu.VMEM((len(OFFS), CH), jnp.int32),
            pltpu.VMEM((CH, 16), jnp.float32),
            pltpu.VMEM((CH, 16), jnp.float32),
            pltpu.VMEM((CH, 16), jnp.float32),
            pltpu.VMEM_SHARED((ACC_ROWS, 16), jnp.float32),
            pltpu.SemaphoreType.DMA,
        ],
    )
    def deg_kernel(dst_hbm, idx_hbm, cnt_hbm, dstv, idxv, onesv, zerov, obuf,
                   acc, sem):
        c = lax.axis_index("c")
        s = lax.axis_index("s")
        wid = s * NC + c

        _fill_f32(onesv, CH, 16, 1.0)
        _fill_f32(zerov, CH, 16, 0.0)
        pltpu.sync_copy(dst_hbm.at[wid], dstv)
        pltpu.sync_copy(idx_hbm.at[s], idxv)

        for b in range(len(OFFS)):
            pltpu.sync_copy(zerov, acc.at[idxv.at[b]])
        plsc.subcore_barrier()

        def chunk(j, _):
            pltpu.sync_copy(onesv, acc.at[dstv.at[j]], add=True)
            return 0

        lax.fori_loop(0, NCHP, chunk, 0)
        plsc.subcore_barrier()

        for b in range(len(OFFS)):
            pltpu.async_copy(acc.at[idxv.at[b]], obuf, sem).wait()
            pltpu.sync_copy(obuf, cnt_hbm.at[c, pl.ds(s * RPT + OFFS[b], CH)])

    return deg_kernel(dst3, idx3)


NCH_R = NCHP // 2


def _sc_edges(hp, src3, dst3, idx3):
    mesh = plsc.VectorSubcoreMesh(core_axis_name="c", subcore_axis_name="s")

    @functools.partial(
        pl.kernel,
        out_type=jax.ShapeDtypeStruct((NC, ACC_ROWS, D), jnp.float32),
        mesh=mesh,
        scratch_types=[
            pltpu.VMEM((NCH_R, CH), jnp.int32),
            pltpu.VMEM((NCH_R, CH), jnp.int32),
            pltpu.VMEM((len(OFFS), CH), jnp.int32),
            pltpu.VMEM((CH, D), jnp.float32),
            pltpu.VMEM_SHARED((ACC_ROWS, D), jnp.float32),
            pltpu.SemaphoreType.DMA,
        ],
    )
    def edge_kernel(hp_hbm, src_hbm, dst_hbm, idx_hbm, part_hbm,
                    srcv, dstv, idxv, rows0, acc, gsem0):
        c = lax.axis_index("c")
        s = lax.axis_index("s")
        wid = s * NC + c

        _fill_f32(rows0, CH, D, 0.0)
        pltpu.sync_copy(idx_hbm.at[s], idxv)
        for b in range(len(OFFS)):
            pltpu.sync_copy(rows0, acc.at[idxv.at[b]])
        plsc.subcore_barrier()

        for r in range(2):
            pltpu.sync_copy(src_hbm.at[wid, pl.ds(r * NCH_R, NCH_R)], srcv)
            pltpu.sync_copy(dst_hbm.at[wid, pl.ds(r * NCH_R, NCH_R)], dstv)

            def chunk(j, _):
                pltpu.async_copy(hp_hbm.at[srcv.at[j]], rows0, gsem0).wait()
                pltpu.sync_copy(rows0, acc.at[dstv.at[j]], add=True)
                return 0

            lax.fori_loop(0, NCH_R, chunk, 0)

        plsc.subcore_barrier()

        for b in range(len(OFFS)):
            pltpu.async_copy(acc.at[idxv.at[b]], rows0, gsem0).wait()
            pltpu.sync_copy(rows0,
                            part_hbm.at[c, pl.ds(s * RPT + OFFS[b], CH)])

    return edge_kernel(hp, src3, dst3, idx3)


def _tc_project(x, W_gcn, cnt):
    def body(x_ref, w_ref, cnt_ref, out_ref):
        deg = cnt_ref[0, :, 0:1] + cnt_ref[1, :, 0:1] + 1.0
        dinv = lax.rsqrt(deg)
        h = jnp.dot(x_ref[...], w_ref[...], preferred_element_type=jnp.float32)
        out_ref[...] = h * dinv

    return pl.pallas_call(
        body,
        out_shape=jax.ShapeDtypeStruct((N, D), jnp.float32),
    )(x, W_gcn, cnt)


def _tc_heads(part, hp, cnt, batch2d, b_gcn2, W_fc, b_fc2, W_a, b_a2, W_c, b_c2):
    def body(part_ref, hp_ref, cnt_ref, batch_ref, bg_ref, wfc_ref, bfc_ref,
             wa_ref, ba_ref, wc_ref, bc_ref, probs_ref, val_ref):
        deg = cnt_ref[0, :, 0:1] + cnt_ref[1, :, 0:1] + 1.0
        dinv = lax.rsqrt(deg)
        ssum = part_ref[0] + part_ref[1] + hp_ref[...]
        hr = jnp.maximum(ssum * dinv + bg_ref[...], 0.0)

        ids = batch_ref[...]
        gids = lax.broadcasted_iota(jnp.int32, (G, 1), 0)
        mask = (ids == gids).astype(jnp.float32)
        sums = jnp.dot(mask, hr, preferred_element_type=jnp.float32)
        cnts = jnp.sum(mask, axis=1, keepdims=True)
        gs = sums / jnp.maximum(cnts, 1.0)

        z = jnp.maximum(
            jnp.dot(gs, wfc_ref[...], preferred_element_type=jnp.float32)
            + bfc_ref[...], 0.0)
        logits = jnp.dot(z, wa_ref[...], preferred_element_type=jnp.float32) \
            + ba_ref[...]
        m = jnp.max(logits, axis=1, keepdims=True)
        e = jnp.exp(logits - m)
        probs_ref[...] = e / jnp.sum(e, axis=1, keepdims=True)
        val_ref[...] = jnp.dot(z, wc_ref[...],
                               preferred_element_type=jnp.float32) + bc_ref[...]

    return pl.pallas_call(
        body,
        out_shape=[
            jax.ShapeDtypeStruct((G, T), jnp.float32),
            jax.ShapeDtypeStruct((G, 1), jnp.float32),
        ],
    )(part, hp, cnt, batch2d, b_gcn2, W_fc, b_fc2, W_a, b_a2, W_c, b_c2)


def kernel(x, edge_index, batch, W_gcn, b_gcn, W_fc, b_fc, W_a, b_a, W_c, b_c):
    pad = NCHP * CH - EPW
    src3 = jnp.pad(edge_index[0].reshape(NW, EPW),
                   ((0, 0), (0, pad))).reshape(NW, NCHP, CH)
    dst3 = jnp.pad(edge_index[1].reshape(NW, EPW), ((0, 0), (0, pad)),
                   constant_values=DUMMY).reshape(NW, NCHP, CH)
    idx3 = (jnp.arange(NS, dtype=jnp.int32)[:, None, None] * RPT
            + jnp.array(OFFS, jnp.int32)[None, :, None]
            + jnp.arange(CH, dtype=jnp.int32)[None, None, :])
    cnt = _sc_degree(dst3, idx3)[:, :N, :]
    hp = _tc_project(x, W_gcn, cnt)
    part = _sc_edges(hp, src3, dst3, idx3)[:, :N, :]
    probs, val = _tc_heads(
        part, hp, cnt,
        batch.reshape(1, N),
        b_gcn.reshape(1, H), W_fc, b_fc.reshape(1, F2),
        W_a, b_a.reshape(1, T), W_c, b_c.reshape(1, 1),
    )
    return (probs, val)

# --- scband reference (transcript-rebuilt; emitter-appended) ---
"""Pipeline reference for scband-group-policy-2740189135245 (READ-ONLY COPY).

The authoritative reference and input builder live on the scoring server;
editing this copy changes nothing except your own understanding.
"""

import jax, jax.numpy as jnp
import numpy as np

N = 10000
E = 320000
D = 128
H = 128
F2 = 64
T = 16
G = 64


def setup_inputs(seed: int = 0) -> dict:
    key = jax.random.key(seed)
    ks = jax.random.split(key, 12)
    x = jax.random.normal(ks[0], (N, D), dtype=jnp.float32)
    edge_index = jax.random.randint(ks[1], (2, E), 0, N, dtype=jnp.int32)
    batch = jnp.sort(jax.random.randint(ks[2], (N,), 0, G, dtype=jnp.int32))
    # GCNConv(128 -> 128) params
    W_gcn = jax.random.normal(ks[3], (D, H), dtype=jnp.float32) * (1.0 / np.sqrt(D))
    b_gcn = jnp.zeros((H,), dtype=jnp.float32)
    # fc1: Linear(128 -> 64)
    W_fc = jax.random.normal(ks[4], (H, F2), dtype=jnp.float32) * (1.0 / np.sqrt(H))
    b_fc = jnp.zeros((F2,), dtype=jnp.float32)
    # actor_head: Linear(64 -> 16)
    W_a = jax.random.normal(ks[5], (F2, T), dtype=jnp.float32) * (1.0 / np.sqrt(F2))
    b_a = jnp.zeros((T,), dtype=jnp.float32)
    # critic_head: Linear(64 -> 1)
    W_c = jax.random.normal(ks[6], (F2, 1), dtype=jnp.float32) * (1.0 / np.sqrt(F2))
    b_c = jnp.zeros((1,), dtype=jnp.float32)
    return {"x": x, "edge_index": edge_index, "batch": batch,
            "W_gcn": W_gcn, "b_gcn": b_gcn, "W_fc": W_fc, "b_fc": b_fc,
            "W_a": W_a, "b_a": b_a, "W_c": W_c, "b_c": b_c}


def gcn_conv(x, edge_index, W, b):
    # GCNConv with default add_self_loops=True and symmetric normalization
    src = jnp.concatenate([edge_index[0], jnp.arange(N, dtype=edge_index.dtype)])
    dst = jnp.concatenate([edge_index[1], jnp.arange(N, dtype=edge_index.dtype)])
    deg = jnp.zeros((N,), dtype=jnp.float32).at[dst].add(1.0)
    dinv = jax.lax.rsqrt(deg)  # deg >= 1 because of self-loops
    norm = dinv[src] * dinv[dst]
    h = x @ W
    msg = h[src] * norm[:, None]
    out = jnp.zeros((N, W.shape[1]), dtype=jnp.float32).at[dst].add(msg)
    return out + b


def reference(x, edge_index, batch, W_gcn, b_gcn, W_fc, b_fc, W_a, b_a, W_c, b_c):
    h = jax.nn.relu(gcn_conv(x, edge_index, W_gcn, b_gcn))
    # global_mean_pool over batch ids
    sums = jax.ops.segment_sum(h, batch, num_segments=G)
    cnts = jax.ops.segment_sum(jnp.ones((N,), dtype=jnp.float32), batch, num_segments=G)
    group_state = sums / jnp.clip(cnts, 1.0)[:, None]
    z = jax.nn.relu(group_state @ W_fc + b_fc)
    tactic_logits = z @ W_a + b_a
    tactic_probs = jax.nn.softmax(tactic_logits, axis=-1)
    group_value = z @ W_c + b_c
    return (tactic_probs, group_value)

if __name__ == "__main__":
    import jax
    _d = setup_inputs()
    print(jax.jit(kernel)(*tuple(_d.values())))

</pallas_src>

<mosaic_0001>
#map = affine_map<(d0, d1) -> (0, 0, 0)>
module attributes {stable_mosaic.version = 14 : i64} {
  func.func @deg_kernel(%arg0: i32, %arg1: i32, %arg2: memref<32x80x128xi32, #tpu.memory_space<hbm>>, %arg3: memref<16x5x128xi32, #tpu.memory_space<hbm>>, %arg4: memref<2x10112x16xf32, #tpu.memory_space<hbm>>, %arg5: memref<80x128xi32, #tpu.memory_space<vmem>>, %arg6: memref<5x128xi32, #tpu.memory_space<vmem>>, %arg7: memref<128x16xf32, #tpu.memory_space<vmem>>, %arg8: memref<128x16xf32, #tpu.memory_space<vmem>>, %arg9: memref<128x16xf32, #tpu.memory_space<vmem>>, %arg10: memref<10112x16xf32, #tpu.memory_space<vmem_shared>>, %arg11: memref<!tpu.dma_semaphore, #tpu.memory_space<semaphore_mem>>) attributes {dimension_semantics = [#tpu.dimension_semantics<core_parallel>, #tpu.dimension_semantics<subcore_parallel>], iteration_bounds = array<i64: 2, 16>, scalar_prefetch = 0 : i64, scratch_operands = 7 : i64, tpu.core_type = #tpu.core_type<sc_vector_subcore>, window_params = [{transform_indices = #map}, {transform_indices = #map}, {transform_indices = #map}]} {
    %mul3A = arith.constant 2 : i32
    %mul3A_0 = arith.muli %arg1, %mul3A : i32
    %add3A = arith.addi %mul3A_0, %arg0 : i32
    %broadcast_in_dim3A = arith.constant 1.000000e+00 : f32
    %broadcast_in_dim3A_1 = vector.broadcast %broadcast_in_dim3A : f32 to vector<16xf32>
    %scan3A = arith.constant 0 : i32
    %scan3A_2 = arith.constant 0 : i32
    %scan3A_3 = arith.constant 128 : i32
    %scan3A_4 = arith.addi %scan3A_2, %scan3A_3 : i32
    %scan3A_5 = arith.constant 1 : i32
    %scan3A_6 = scf.for %scan3A_117 = %scan3A_2 to %scan3A_4 step %scan3A_5 iter_args(%scan3A_118 = %scan3A) -> (i32)  : i32 {
      %jit3A = arith.constant 1 : i32
      %div3A = arith.divsi %scan3A_117, %jit3A : i32
      %sign3A = arith.constant 0 : i32
      %sign3A_119 = arith.cmpi sgt, %scan3A_117, %sign3A : i32
      %sign3A_120 = arith.extui %sign3A_119 : i1 to i32
      %sign3A_121 = arith.constant 0 : i32
      %sign3A_122 = arith.cmpi slt, %scan3A_117, %sign3A_121 : i32
      %sign3A_123 = arith.extui %sign3A_122 : i1 to i32
      %sign3A_124 = arith.subi %sign3A_120, %sign3A_123 : i32
      %sign3A_125 = arith.constant 0 : i32
      %sign3A_126 = arith.cmpi sgt, %jit3A, %sign3A_125 : i32
      %sign3A_127 = arith.extui %sign3A_126 : i1 to i32
      %sign3A_128 = arith.constant 0 : i32
      %sign3A_129 = arith.cmpi slt, %jit3A, %sign3A_128 : i32
      %sign3A_130 = arith.extui %sign3A_129 : i1 to i32
      %sign3A_131 = arith.subi %sign3A_127, %sign3A_130 : i32
      %ne3A = arith.cmpi ne, %sign3A_124, %sign3A_131 : i32
      %rem3A = arith.remsi %scan3A_117, %jit3A : i32
      %ne3A_132 = arith.constant 0 : i32
      %ne3A_133 = arith.cmpi ne, %rem3A, %ne3A_132 : i32
      %and3A = arith.andi %ne3A, %ne3A_133 : i1
      %sub3A = arith.constant 1 : i32
      %sub3A_134 = arith.subi %div3A, %sub3A : i32
      %select_n3A = arith.select %and3A, %sub3A_134, %div3A : i32
      %jit3A_135 = arith.constant 1 : i32
      %eq3A = arith.constant 0 : i32
      %eq3A_136 = arith.cmpi eq, %jit3A_135, %eq3A : i32
      %jit3A_137 = arith.constant 1 : i32
      %select_n3A_138 = arith.select %eq3A_136, %jit3A_137, %jit3A_135 : i32
      %rem3A_139 = arith.remsi %scan3A_117, %select_n3A_138 : i32
      %ne3A_140 = arith.constant 0 : i32
      %ne3A_141 = arith.cmpi ne, %rem3A_139, %ne3A_140 : i32
      %lt3A = arith.constant 0 : i32
      %lt3A_142 = arith.cmpi slt, %rem3A_139, %lt3A : i32
      %lt3A_143 = arith.constant 0 : i32
      %lt3A_144 = arith.cmpi slt, %select_n3A_138, %lt3A_143 : i32
      %ne3A_145 = arith.xori %lt3A_142, %lt3A_144 : i1
      %and3A_146 = arith.andi %ne3A_145, %ne3A_141 : i1
      %add3A_147 = arith.addi %rem3A_139, %select_n3A_138 : i32
      %select_n3A_148 = arith.select %and3A_146, %add3A_147, %rem3A_139 : i32
      %mul3A_149 = arith.constant 16 : i32
      %mul3A_150 = arith.muli %select_n3A_148, %mul3A_149 : i32
      %swap3A = arith.index_cast %select_n3A : i32 to index
      %swap3A_151 = arith.index_cast %mul3A_150 : i32 to index
      %swap3A_152 = tpu.vector_load %arg7[%swap3A, %swap3A_151] {strides = array<i32>} : memref<128x16xf32, #tpu.memory_space<vmem>>, vector<1x16xf32>,
      %swap3A_153 = vector.shape_cast %swap3A_152 : vector<1x16xf32> to vector<16xf32>
      %swap3A_154 = vector.shape_cast %broadcast_in_dim3A_1 : vector<16xf32> to vector<1x16xf32>
      tpu.vector_store %arg7[%swap3A, %swap3A_151], %swap3A_154 {strides = array<i32>} : memref<128x16xf32, #tpu.memory_space<vmem>>, vector<1x16xf32>,
      %scan3A_155 = arith.constant 0 : i32
      scf.yield %scan3A_155 : i32
    }
    %scan3A_7 = arith.constant 128 : i32
    %broadcast_in_dim3A_8 = arith.constant 0.000000e+00 : f32
    %broadcast_in_dim3A_9 = vector.broadcast %broadcast_in_dim3A_8 : f32 to vector<16xf32>
    %scan3A_10 = arith.constant 0 : i32
    %scan3A_11 = arith.constant 0 : i32
    %scan3A_12 = arith.constant 128 : i32
    %scan3A_13 = arith.addi %scan3A_11, %scan3A_12 : i32
    %scan3A_14 = arith.constant 1 : i32
    %scan3A_15 = scf.for %scan3A_117 = %scan3A_11 to %scan3A_13 step %scan3A_14 iter_args(%scan3A_118 = %scan3A_10) -> (i32)  : i32 {
      %jit3A = arith.constant 1 : i32
      %div3A = arith.divsi %scan3A_117, %jit3A : i32
      %sign3A = arith.constant 0 : i32
      %sign3A_119 = arith.cmpi sgt, %scan3A_117, %sign3A : i32
      %sign3A_120 = arith.extui %sign3A_119 : i1 to i32
      %sign3A_121 = arith.constant 0 : i32
      %sign3A_122 = arith.cmpi slt, %scan3A_117, %sign3A_121 : i32
      %sign3A_123 = arith.extui %sign3A_122 : i1 to i32
      %sign3A_124 = arith.subi %sign3A_120, %sign3A_123 : i32
      %sign3A_125 = arith.constant 0 : i32
      %sign3A_126 = arith.cmpi sgt, %jit3A, %sign3A_125 : i32
      %sign3A_127 = arith.extui %sign3A_126 : i1 to i32
      %sign3A_128 = arith.constant 0 : i32
      %sign3A_129 = arith.cmpi slt, %jit3A, %sign3A_128 : i32
      %sign3A_130 = arith.extui %sign3A_129 : i1 to i32
      %sign3A_131 = arith.subi %sign3A_127, %sign3A_130 : i32
      %ne3A = arith.cmpi ne, %sign3A_124, %sign3A_131 : i32
      %rem3A = arith.remsi %scan3A_117, %jit3A : i32
      %ne3A_132 = arith.constant 0 : i32
      %ne3A_133 = arith.cmpi ne, %rem3A, %ne3A_132 : i32
      %and3A = arith.andi %ne3A, %ne3A_133 : i1
      %sub3A = arith.constant 1 : i32
      %sub3A_134 = arith.subi %div3A, %sub3A : i32
      %select_n3A = arith.select %and3A, %sub3A_134, %div3A : i32
      %jit3A_135 = arith.constant 1 : i32
      %eq3A = arith.constant 0 : i32
      %eq3A_136 = arith.cmpi eq, %jit3A_135, %eq3A : i32
      %jit3A_137 = arith.constant 1 : i32
      %select_n3A_138 = arith.select %eq3A_136, %jit3A_137, %jit3A_135 : i32
      %rem3A_139 = arith.remsi %scan3A_117, %select_n3A_138 : i32
      %ne3A_140 = arith.constant 0 : i32
      %ne3A_141 = arith.cmpi ne, %rem3A_139, %ne3A_140 : i32
      %lt3A = arith.constant 0 : i32
      %lt3A_142 = arith.cmpi slt, %rem3A_139, %lt3A : i32
      %lt3A_143 = arith.constant 0 : i32
      %lt3A_144 = arith.cmpi slt, %select_n3A_138, %lt3A_143 : i32
      %ne3A_145 = arith.xori %lt3A_142, %lt3A_144 : i1
      %and3A_146 = arith.andi %ne3A_145, %ne3A_141 : i1
      %add3A_147 = arith.addi %rem3A_139, %select_n3A_138 : i32
      %select_n3A_148 = arith.select %and3A_146, %add3A_147, %rem3A_139 : i32
      %mul3A_149 = arith.constant 16 : i32
      %mul3A_150 = arith.muli %select_n3A_148, %mul3A_149 : i32
      %swap3A = arith.index_cast %select_n3A : i32 to index
      %swap3A_151 = arith.index_cast %mul3A_150 : i32 to index
      %swap3A_152 = tpu.vector_load %arg8[%swap3A, %swap3A_151] {strides = array<i32>} : memref<128x16xf32, #tpu.memory_space<vmem>>, vector<1x16xf32>,
      %swap3A_153 = vector.shape_cast %swap3A_152 : vector<1x16xf32> to vector<16xf32>
      %swap3A_154 = vector.shape_cast %broadcast_in_dim3A_9 : vector<16xf32> to vector<1x16xf32>
      tpu.vector_store %arg8[%swap3A, %swap3A_151], %swap3A_154 {strides = array<i32>} : memref<128x16xf32, #tpu.memory_space<vmem>>, vector<1x16xf32>,
      %scan3A_155 = arith.constant 0 : i32
      scf.yield %scan3A_155 : i32
    }
    %scan3A_16 = arith.constant 128 : i32
    "tpu.region"() ({
      %run_scoped3A_117 = tpu.sem_alloc : memref<!tpu.dma_semaphore, #tpu.memory_space<semaphore_mem>>
      %dma_start3A_118 = arith.constant 0 : i32
      %dma_start3A_119 = arith.constant 0 : i32
      %dma_start3A_120 = tpu.memref_slice %arg2[%add3A, %dma_start3A_118, %dma_start3A_119] : memref<32x80x128xi32, #tpu.memory_space<hbm>> -> memref<1x80x128xi32, #tpu.memory_space<hbm>>
      %dma_start3A_121 = tpu.memref_squeeze %dma_start3A_120 : memref<1x80x128xi32, #tpu.memory_space<hbm>> -> memref<80x128xi32, #tpu.memory_space<hbm>>
      %dma_start3A_122 = arith.constant 0 : i32
      %dma_start3A_123 = arith.constant 0 : i32
      %dma_start3A_124 = tpu.memref_slice %arg2[%add3A, %dma_start3A_122, %dma_start3A_123] : memref<32x80x128xi32, #tpu.memory_space<hbm>> -> memref<1x80x128xi32, #tpu.memory_space<hbm>>
      %dma_start3A_125 = tpu.memref_squeeze %dma_start3A_124 : memref<1x80x128xi32, #tpu.memory_space<hbm>> -> memref<80x128xi32, #tpu.memory_space<hbm>>
      tpu.enqueue_dma source(%dma_start3A_125 : memref<80x128xi32, #tpu.memory_space<hbm>>) target(%arg5 : memref<80x128xi32, #tpu.memory_space<vmem>>) target_semaphore(%run_scoped3A_117 : memref<!tpu.dma_semaphore, #tpu.memory_space<semaphore_mem>>)
      %dma_wait3A_126 = arith.constant 0 : i32
      %dma_wait3A_127 = arith.constant 0 : i32
      %dma_wait3A_128 = tpu.memref_slice %arg2[%add3A, %dma_wait3A_126, %dma_wait3A_127] : memref<32x80x128xi32, #tpu.memory_space<hbm>> -> memref<1x80x128xi32, #tpu.memory_space<hbm>>
      %dma_wait3A_129 = tpu.memref_squeeze %dma_wait3A_128 : memref<1x80x128xi32, #tpu.memory_space<hbm>> -> memref<80x128xi32, #tpu.memory_space<hbm>>
      %dma_wait3A_130 = arith.constant 0 : i32
      %dma_wait3A_131 = arith.constant 0 : i32
      %dma_wait3A_132 = tpu.memref_slice %arg2[%add3A, %dma_wait3A_130, %dma_wait3A_131] : memref<32x80x128xi32, #tpu.memory_space<hbm>> -> memref<1x80x128xi32, #tpu.memory_space<hbm>>
      %dma_wait3A_133 = tpu.memref_squeeze %dma_wait3A_132 : memref<1x80x128xi32, #tpu.memory_space<hbm>> -> memref<80x128xi32, #tpu.memory_space<hbm>>
      tpu.wait_dma2 semaphore(%run_scoped3A_117 : memref<!tpu.dma_semaphore, #tpu.memory_space<semaphore_mem>>) src(%dma_wait3A_133 : memref<80x128xi32, #tpu.memory_space<hbm>>) dst(%arg5 : memref<80x128xi32, #tpu.memory_space<vmem>>)
      tpu.yield
    }) : () -> ()
    "tpu.region"() ({
      %run_scoped3A_117 = tpu.sem_alloc : memref<!tpu.dma_semaphore, #tpu.memory_space<semaphore_mem>>
      %dma_start3A_118 = arith.constant 0 : i32
      %dma_start3A_119 = arith.constant 0 : i32
      %dma_start3A_120 = tpu.memref_slice %arg3[%arg1, %dma_start3A_118, %dma_start3A_119] : memref<16x5x128xi32, #tpu.memory_space<hbm>> -> memref<1x5x128xi32, #tpu.memory_space<hbm>>
      %dma_start3A_121 = tpu.memref_squeeze %dma_start3A_120 : memref<1x5x128xi32, #tpu.memory_space<hbm>> -> memref<5x128xi32, #tpu.memory_space<hbm>>
      %dma_start3A_122 = arith.constant 0 : i32
      %dma_start3A_123 = arith.constant 0 : i32
      %dma_start3A_124 = tpu.memref_slice %arg3[%arg1, %dma_start3A_122, %dma_start3A_123] : memref<16x5x128xi32, #tpu.memory_space<hbm>> -> memref<1x5x128xi32, #tpu.memory_space<hbm>>
      %dma_start3A_125 = tpu.memref_squeeze %dma_start3A_124 : memref<1x5x128xi32, #tpu.memory_space<hbm>> -> memref<5x128xi32, #tpu.memory_space<hbm>>
      tpu.enqueue_dma source(%dma_start3A_125 : memref<5x128xi32, #tpu.memory_space<hbm>>) target(%arg6 : memref<5x128xi32, #tpu.memory_space<vmem>>) target_semaphore(%run_scoped3A_117 : memref<!tpu.dma_semaphore, #tpu.memory_space<semaphore_mem>>)
      %dma_wait3A_126 = arith.constant 0 : i32
      %dma_wait3A_127 = arith.constant 0 : i32
      %dma_wait3A_128 = tpu.memref_slice %arg3[%arg1, %dma_wait3A_126, %dma_wait3A_127] : memref<16x5x128xi32, #tpu.memory_space<hbm>> -> memref<1x5x128xi32, #tpu.memory_space<hbm>>
      %dma_wait3A_129 = tpu.memref_squeeze %dma_wait3A_128 : memref<1x5x128xi32, #tpu.memory_space<hbm>> -> memref<5x128xi32, #tpu.memory_space<hbm>>
      %dma_wait3A_130 = arith.constant 0 : i32
      %dma_wait3A_131 = arith.constant 0 : i32
      %dma_wait3A_132 = tpu.memref_slice %arg3[%arg1, %dma_wait3A_130, %dma_wait3A_131] : memref<16x5x128xi32, #tpu.memory_space<hbm>> -> memref<1x5x128xi32, #tpu.memory_space<hbm>>
      %dma_wait3A_133 = tpu.memref_squeeze %dma_wait3A_132 : memref<1x5x128xi32, #tpu.memory_space<hbm>> -> memref<5x128xi32, #tpu.memory_space<hbm>>
      tpu.wait_dma2 semaphore(%run_scoped3A_117 : memref<!tpu.dma_semaphore, #tpu.memory_space<semaphore_mem>>) src(%dma_wait3A_133 : memref<5x128xi32, #tpu.memory_space<hbm>>) dst(%arg6 : memref<5x128xi32, #tpu.memory_space<vmem>>)
      tpu.yield
    }) : () -> ()
    %run_scoped3A = arith.constant 0 : i32
    "tpu.region"() ({
      %run_scoped3A_117 = tpu.sem_alloc : memref<!tpu.dma_semaphore, #tpu.memory_space<semaphore_mem>>
      %dma_start3A_118 = arith.constant 0 : i32
      %dma_start3A_119 = tpu.memref_slice %arg6[%run_scoped3A, %dma_start3A_118] : memref<5x128xi32, #tpu.memory_space<vmem>> -> memref<1x128xi32, #tpu.memory_space<vmem>>
      %dma_start3A_120 = tpu.memref_squeeze %dma_start3A_119 : memref<1x128xi32, #tpu.memory_space<vmem>> -> memref<128xi32, #tpu.memory_space<vmem>>
      %dma_start3A_121 = arith.constant 0 : i32
      %dma_start3A_122 = arith.constant 0 : i32
      %dma_start3A_123 = tpu.memref_slice %arg10[%dma_start3A_121, %dma_start3A_122] : memref<10112x16xf32, #tpu.memory_space<vmem_shared>> -> memref<10112x16xf32, #tpu.memory_space<vmem_shared>>
      tpu.enqueue_indirect_dma source(%arg8 : memref<128x16xf32, #tpu.memory_space<vmem>>) target(%dma_start3A_123 : memref<10112x16xf32, #tpu.memory_space<vmem_shared>>) offsets(%dma_start3A_120 : memref<128xi32, #tpu.memory_space<vmem>>) semaphore(%run_scoped3A_117 : memref<!tpu.dma_semaphore, #tpu.memory_space<semaphore_mem>>)
      %dma_wait3A_124 = arith.constant 0 : i32
      %dma_wait3A_125 = tpu.memref_slice %arg6[%run_scoped3A, %dma_wait3A_124] : memref<5x128xi32, #tpu.memory_space<vmem>> -> memref<1x128xi32, #tpu.memory_space<vmem>>
      %dma_wait3A_126 = tpu.memref_squeeze %dma_wait3A_125 : memref<1x128xi32, #tpu.memory_space<vmem>> -> memref<128xi32, #tpu.memory_space<vmem>>
      %dma_wait3A_127 = arith.constant 0 : i32
      %dma_wait3A_128 = arith.constant 0 : i32
      %dma_wait3A_129 = tpu.memref_slice %arg10[%dma_wait3A_127, %dma_wait3A_128] : memref<10112x16xf32, #tpu.memory_space<vmem_shared>> -> memref<10112x16xf32, #tpu.memory_space<vmem_shared>>
      tpu.wait_indirect_dma semaphore(%run_scoped3A_117 : memref<!tpu.dma_semaphore, #tpu.memory_space<semaphore_mem>>) src(%arg8 : memref<128x16xf32, #tpu.memory_space<vmem>>) dst(%dma_wait3A_129 : memref<10112x16xf32, #tpu.memory_space<vmem_shared>>)
      tpu.yield
    }) : () -> ()
    %run_scoped3A_17 = arith.constant 1 : i32
    "tpu.region"() ({
      %run_scoped3A_117 = tpu.sem_alloc : memref<!tpu.dma_semaphore, #tpu.memory_space<semaphore_mem>>
      %dma_start3A_118 = arith.constant 0 : i32
      %dma_start3A_119 = tpu.memref_slice %arg6[%run_scoped3A_17, %dma_start3A_118] : memref<5x128xi32, #tpu.memory_space<vmem>> -> memref<1x128xi32, #tpu.memory_space<vmem>>
      %dma_start3A_120 = tpu.memref_squeeze %dma_start3A_119 : memref<1x128xi32, #tpu.memory_space<vmem>> -> memref<128xi32, #tpu.memory_space<vmem>>
      %dma_start3A_121 = arith.constant 0 : i32
      %dma_start3A_122 = arith.constant 0 : i32
      %dma_start3A_123 = tpu.memref_slice %arg10[%dma_start3A_121, %dma_start3A_122] : memref<10112x16xf32, #tpu.memory_space<vmem_shared>> -> memref<10112x16xf32, #tpu.memory_space<vmem_shared>>
      tpu.enqueue_indirect_dma source(%arg8 : memref<128x16xf32, #tpu.memory_space<vmem>>) target(%dma_start3A_123 : memref<10112x16xf32, #tpu.memory_space<vmem_shared>>) offsets(%dma_start3A_120 : memref<128xi32, #tpu.memory_space<vmem>>) semaphore(%run_scoped3A_117 : memref<!tpu.dma_semaphore, #tpu.memory_space<semaphore_mem>>)
      %dma_wait3A_124 = arith.constant 0 : i32
      %dma_wait3A_125 = tpu.memref_slice %arg6[%run_scoped3A_17, %dma_wait3A_124] : memref<5x128xi32, #tpu.memory_space<vmem>> -> memref<1x128xi32, #tpu.memory_space<vmem>>
      %dma_wait3A_126 = tpu.memref_squeeze %dma_wait3A_125 : memref<1x128xi32, #tpu.memory_space<vmem>> -> memref<128xi32, #tpu.memory_space<vmem>>
      %dma_wait3A_127 = arith.constant 0 : i32
      %dma_wait3A_128 = arith.constant 0 : i32
      %dma_wait3A_129 = tpu.memref_slice %arg10[%dma_wait3A_127, %dma_wait3A_128] : memref<10112x16xf32, #tpu.memory_space<vmem_shared>> -> memref<10112x16xf32, #tpu.memory_space<vmem_shared>>
      tpu.wait_indirect_dma semaphore(%run_scoped3A_117 : memref<!tpu.dma_semaphore, #tpu.memory_space<semaphore_mem>>) src(%arg8 : memref<128x16xf32, #tpu.memory_space<vmem>>) dst(%dma_wait3A_129 : memref<10112x16xf32, #tpu.memory_space<vmem_shared>>)
      tpu.yield
    }) : () -> ()
    %run_scoped3A_18 = arith.constant 2 : i32
    "tpu.region"() ({
      %run_scoped3A_117 = tpu.sem_alloc : memref<!tpu.dma_semaphore, #tpu.memory_space<semaphore_mem>>
      %dma_start3A_118 = arith.constant 0 : i32
      %dma_start3A_119 = tpu.memref_slice %arg6[%run_scoped3A_18, %dma_start3A_118] : memref<5x128xi32, #tpu.memory_space<vmem>> -> memref<1x128xi32, #tpu.memory_space<vmem>>
      %dma_start3A_120 = tpu.memref_squeeze %dma_start3A_119 : memref<1x128xi32, #tpu.memory_space<vmem>> -> memref<128xi32, #tpu.memory_space<vmem>>
      %dma_start3A_121 = arith.constant 0 : i32
      %dma_start3A_122 = arith.constant 0 : i32
      %dma_start3A_123 = tpu.memref_slice %arg10[%dma_start3A_121, %dma_start3A_122] : memref<10112x16xf32, #tpu.memory_space<vmem_shared>> -> memref<10112x16xf32, #tpu.memory_space<vmem_shared>>
      tpu.enqueue_indirect_dma source(%arg8 : memref<128x16xf32, #tpu.memory_space<vmem>>) target(%dma_start3A_123 : memref<10112x16xf32, #tpu.memory_space<vmem_shared>>) offsets(%dma_start3A_120 : memref<128xi32, #tpu.memory_space<vmem>>) semaphore(%run_scoped3A_117 : memref<!tpu.dma_semaphore, #tpu.memory_space<semaphore_mem>>)
      %dma_wait3A_124 = arith.constant 0 : i32
      %dma_wait3A_125 = tpu.memref_slice %arg6[%run_scoped3A_18, %dma_wait3A_124] : memref<5x128xi32, #tpu.memory_space<vmem>> -> memref<1x128xi32, #tpu.memory_space<vmem>>
      %dma_wait3A_126 = tpu.memref_squeeze %dma_wait3A_125 : memref<1x128xi32, #tpu.memory_space<vmem>> -> memref<128xi32, #tpu.memory_space<vmem>>
      %dma_wait3A_127 = arith.constant 0 : i32
      %dma_wait3A_128 = arith.constant 0 : i32
      %dma_wait3A_129 = tpu.memref_slice %arg10[%dma_wait3A_127, %dma_wait3A_128] : memref<10112x16xf32, #tpu.memory_space<vmem_shared>> -> memref<10112x16xf32, #tpu.memory_space<vmem_shared>>
      tpu.wait_indirect_dma semaphore(%run_scoped3A_117 : memref<!tpu.dma_semaphore, #tpu.memory_space<semaphore_mem>>) src(%arg8 : memref<128x16xf32, #tpu.memory_space<vmem>>) dst(%dma_wait3A_129 : memref<10112x16xf32, #tpu.memory_space<vmem_shared>>)
      tpu.yield
    }) : () -> ()
    %run_scoped3A_19 = arith.constant 3 : i32
    "tpu.region"() ({
      %run_scoped3A_117 = tpu.sem_alloc : memref<!tpu.dma_semaphore, #tpu.memory_space<semaphore_mem>>
      %dma_start3A_118 = arith.constant 0 : i32
      %dma_start3A_119 = tpu.memref_slice %arg6[%run_scoped3A_19, %dma_start3A_118] : memref<5x128xi32, #tpu.memory_space<vmem>> -> memref<1x128xi32, #tpu.memory_space<vmem>>
      %dma_start3A_120 = tpu.memref_squeeze %dma_start3A_119 : memref<1x128xi32, #tpu.memory_space<vmem>> -> memref<128xi32, #tpu.memory_space<vmem>>
      %dma_start3A_121 = arith.constant 0 : i32
      %dma_start3A_122 = arith.constant 0 : i32
      %dma_start3A_123 = tpu.memref_slice %arg10[%dma_start3A_121, %dma_start3A_122] : memref<10112x16xf32, #tpu.memory_space<vmem_shared>> -> memref<10112x16xf32, #tpu.memory_space<vmem_shared>>
      tpu.enqueue_indirect_dma source(%arg8 : memref<128x16xf32, #tpu.memory_space<vmem>>) target(%dma_start3A_123 : memref<10112x16xf32, #tpu.memory_space<vmem_shared>>) offsets(%dma_start3A_120 : memref<128xi32, #tpu.memory_space<vmem>>) semaphore(%run_scoped3A_117 : memref<!tpu.dma_semaphore, #tpu.memory_space<semaphore_mem>>)
      %dma_wait3A_124 = arith.constant 0 : i32
      %dma_wait3A_125 = tpu.memref_slice %arg6[%run_scoped3A_19, %dma_wait3A_124] : memref<5x128xi32, #tpu.memory_space<vmem>> -> memref<1x128xi32, #tpu.memory_space<vmem>>
      %dma_wait3A_126 = tpu.memref_squeeze %dma_wait3A_125 : memref<1x128xi32, #tpu.memory_space<vmem>> -> memref<128xi32, #tpu.memory_space<vmem>>
      %dma_wait3A_127 = arith.constant 0 : i32
      %dma_wait3A_128 = arith.constant 0 : i32
      %dma_wait3A_129 = tpu.memref_slice %arg10[%dma_wait3A_127, %dma_wait3A_128] : memref<10112x16xf32, #tpu.memory_space<vmem_shared>> -> memref<10112x16xf32, #tpu.memory_space<vmem_shared>>
      tpu.wait_indirect_dma semaphore(%run_scoped3A_117 : memref<!tpu.dma_semaphore, #tpu.memory_space<semaphore_mem>>) src(%arg8 : memref<128x16xf32, #tpu.memory_space<vmem>>) dst(%dma_wait3A_129 : memref<10112x16xf32, #tpu.memory_space<vmem_shared>>)
      tpu.yield
    }) : () -> ()
    %run_scoped3A_20 = arith.constant 4 : i32
    "tpu.region"() ({
      %run_scoped3A_117 = tpu.sem_alloc : memref<!tpu.dma_semaphore, #tpu.memory_space<semaphore_mem>>
      %dma_start3A_118 = arith.constant 0 : i32
      %dma_start3A_119 = tpu.memref_slice %arg6[%run_scoped3A_20, %dma_start3A_118] : memref<5x128xi32, #tpu.memory_space<vmem>> -> memref<1x128xi32, #tpu.memory_space<vmem>>
      %dma_start3A_120 = tpu.memref_squeeze %dma_start3A_119 : memref<1x128xi32, #tpu.memory_space<vmem>> -> memref<128xi32, #tpu.memory_space<vmem>>
      %dma_start3A_121 = arith.constant 0 : i32
      %dma_start3A_122 = arith.constant 0 : i32
      %dma_start3A_123 = tpu.memref_slice %arg10[%dma_start3A_121, %dma_start3A_122] : memref<10112x16xf32, #tpu.memory_space<vmem_shared>> -> memref<10112x16xf32, #tpu.memory_space<vmem_shared>>
      tpu.enqueue_indirect_dma source(%arg8 : memref<128x16xf32, #tpu.memory_space<vmem>>) target(%dma_start3A_123 : memref<10112x16xf32, #tpu.memory_space<vmem_shared>>) offsets(%dma_start3A_120 : memref<128xi32, #tpu.memory_space<vmem>>) semaphore(%run_scoped3A_117 : memref<!tpu.dma_semaphore, #tpu.memory_space<semaphore_mem>>)
      %dma_wait3A_124 = arith.constant 0 : i32
      %dma_wait3A_125 = tpu.memref_slice %arg6[%run_scoped3A_20, %dma_wait3A_124] : memref<5x128xi32, #tpu.memory_space<vmem>> -> memref<1x128xi32, #tpu.memory_space<vmem>>
      %dma_wait3A_126 = tpu.memref_squeeze %dma_wait3A_125 : memref<1x128xi32, #tpu.memory_space<vmem>> -> memref<128xi32, #tpu.memory_space<vmem>>
      %dma_wait3A_127 = arith.constant 0 : i32
      %dma_wait3A_128 = arith.constant 0 : i32
      %dma_wait3A_129 = tpu.memref_slice %arg10[%dma_wait3A_127, %dma_wait3A_128] : memref<10112x16xf32, #tpu.memory_space<vmem_shared>> -> memref<10112x16xf32, #tpu.memory_space<vmem_shared>>
      tpu.wait_indirect_dma semaphore(%run_scoped3A_117 : memref<!tpu.dma_semaphore, #tpu.memory_space<semaphore_mem>>) src(%arg8 : memref<128x16xf32, #tpu.memory_space<vmem>>) dst(%dma_wait3A_129 : memref<10112x16xf32, #tpu.memory_space<vmem_shared>>)
      tpu.yield
    }) : () -> ()
    %barrier3A = arith.constant 0 : index
    tpu.barrier barrier_id(%barrier3A)
    %scan3A_21 = arith.constant 0 : i32
    %scan3A_22 = arith.constant 0 : i32
    %scan3A_23 = arith.constant 80 : i32
    %scan3A_24 = arith.addi %scan3A_22, %scan3A_23 : i32
    %scan3A_25 = arith.constant 1 : i32
    %scan3A_26 = scf.for %scan3A_117 = %scan3A_22 to %scan3A_24 step %scan3A_25 iter_args(%scan3A_118 = %scan3A_21) -> (i32)  : i32 {
      "tpu.region"() ({
        %run_scoped3A_120 = tpu.sem_alloc : memref<!tpu.dma_semaphore, #tpu.memory_space<semaphore_mem>>
        %dma_start3A_121 = arith.constant 0 : i32
        %dma_start3A_122 = tpu.memref_slice %arg5[%scan3A_117, %dma_start3A_121] : memref<80x128xi32, #tpu.memory_space<vmem>> -> memref<1x128xi32, #tpu.memory_space<vmem>>
        %dma_start3A_123 = tpu.memref_squeeze %dma_start3A_122 : memref<1x128xi32, #tpu.memory_space<vmem>> -> memref<128xi32, #tpu.memory_space<vmem>>
        %dma_start3A_124 = arith.constant 0 : i32
        %dma_start3A_125 = arith.constant 0 : i32
        %dma_start3A_126 = tpu.memref_slice %arg10[%dma_start3A_124, %dma_start3A_125] : memref<10112x16xf32, #tpu.memory_space<vmem_shared>> -> memref<10112x16xf32, #tpu.memory_space<vmem_shared>>
        tpu.enqueue_indirect_dma source(%arg7 : memref<128x16xf32, #tpu.memory_space<vmem>>) target(%dma_start3A_126 : memref<10112x16xf32, #tpu.memory_space<vmem_shared>>) offsets(%dma_start3A_123 : memref<128xi32, #tpu.memory_space<vmem>>) semaphore(%run_scoped3A_120 : memref<!tpu.dma_semaphore, #tpu.memory_space<semaphore_mem>>) {add = true}
        %dma_wait3A_127 = arith.constant 0 : i32
        %dma_wait3A_128 = tpu.memref_slice %arg5[%scan3A_117, %dma_wait3A_127] : memref<80x128xi32, #tpu.memory_space<vmem>> -> memref<1x128xi32, #tpu.memory_space<vmem>>
        %dma_wait3A_129 = tpu.memref_squeeze %dma_wait3A_128 : memref<1x128xi32, #tpu.memory_space<vmem>> -> memref<128xi32, #tpu.memory_space<vmem>>
        %dma_wait3A_130 = arith.constant 0 : i32
        %dma_wait3A_131 = arith.constant 0 : i32
        %dma_wait3A_132 = tpu.memref_slice %arg10[%dma_wait3A_130, %dma_wait3A_131] : memref<10112x16xf32, #tpu.memory_space<vmem_shared>> -> memref<10112x16xf32, #tpu.memory_space<vmem_shared>>
        tpu.wait_indirect_dma semaphore(%run_scoped3A_120 : memref<!tpu.dma_semaphore, #tpu.memory_space<semaphore_mem>>) src(%arg7 : memref<128x16xf32, #tpu.memory_space<vmem>>) dst(%dma_wait3A_132 : memref<10112x16xf32, #tpu.memory_space<vmem_shared>>)
        tpu.yield
      }) : () -> ()
      %scan3A_119 = arith.constant 0 : i32
      scf.yield %scan3A_119 : i32
    }
    %scan3A_27 = arith.constant 80 : i32
    %barrier3A_28 = arith.constant 0 : index
    tpu.barrier barrier_id(%barrier3A_28)
    %dma_start3A = arith.constant 0 : i32
    %dma_start3A_29 = arith.constant 0 : i32
    %dma_start3A_30 = tpu.memref_slice %arg6[%dma_start3A, %dma_start3A_29] : memref<5x128xi32, #tpu.memory_space<vmem>> -> memref<1x128xi32, #tpu.memory_space<vmem>>
    %dma_start3A_31 = tpu.memref_squeeze %dma_start3A_30 : memref<1x128xi32, #tpu.memory_space<vmem>> -> memref<128xi32, #tpu.memory_space<vmem>>
    %dma_start3A_32 = arith.constant 0 : i32
    %dma_start3A_33 = arith.constant 0 : i32
    %dma_start3A_34 = tpu.memref_slice %arg10[%dma_start3A_32, %dma_start3A_33] : memref<10112x16xf32, #tpu.memory_space<vmem_shared>> -> memref<10112x16xf32, #tpu.memory_space<vmem_shared>>
    tpu.enqueue_indirect_dma source(%dma_start3A_34 : memref<10112x16xf32, #tpu.memory_space<vmem_shared>>) target(%arg9 : memref<128x16xf32, #tpu.memory_space<vmem>>) offsets(%dma_start3A_31 : memref<128xi32, #tpu.memory_space<vmem>>) semaphore(%arg11 : memref<!tpu.dma_semaphore, #tpu.memory_space<semaphore_mem>>)
    %dma_wait3A = arith.constant 0 : i32
    %dma_wait3A_35 = arith.constant 0 : i32
    %dma_wait3A_36 = tpu.memref_slice %arg6[%dma_wait3A, %dma_wait3A_35] : memref<5x128xi32, #tpu.memory_space<vmem>> -> memref<1x128xi32, #tpu.memory_space<vmem>>
    %dma_wait3A_37 = tpu.memref_squeeze %dma_wait3A_36 : memref<1x128xi32, #tpu.memory_space<vmem>> -> memref<128xi32, #tpu.memory_space<vmem>>
    %dma_wait3A_38 = arith.constant 0 : i32
    %dma_wait3A_39 = arith.constant 0 : i32
    %dma_wait3A_40 = tpu.memref_slice %arg10[%dma_wait3A_38, %dma_wait3A_39] : memref<10112x16xf32, #tpu.memory_space<vmem_shared>> -> memref<10112x16xf32, #tpu.memory_space<vmem_shared>>
    tpu.wait_indirect_dma semaphore(%arg11 : memref<!tpu.dma_semaphore, #tpu.memory_space<semaphore_mem>>) src(%dma_wait3A_40 : memref<10112x16xf32, #tpu.memory_space<vmem_shared>>) dst(%arg9 : memref<128x16xf32, #tpu.memory_space<vmem>>)
    %mul3A_41 = arith.constant 632 : i32
    %mul3A_42 = arith.muli %arg1, %mul3A_41 : i32
    %add3A_43 = arith.constant 0 : i32
    %add3A_44 = arith.addi %mul3A_42, %add3A_43 : i32
    "tpu.region"() ({
      %run_scoped3A_117 = tpu.sem_alloc : memref<!tpu.dma_semaphore, #tpu.memory_space<semaphore_mem>>
      %dma_start3A_118 = arith.constant 0 : i32
      %dma_start3A_119 = tpu.memref_slice %arg4[%arg0, %add3A_44, %dma_start3A_118] : memref<2x10112x16xf32, #tpu.memory_space<hbm>> -> memref<1x128x16xf32, #tpu.memory_space<hbm>>
      %dma_start3A_120 = tpu.memref_squeeze %dma_start3A_119 : memref<1x128x16xf32, #tpu.memory_space<hbm>> -> memref<128x16xf32, #tpu.memory_space<hbm>>
      %dma_start3A_121 = arith.constant 0 : i32
      %dma_start3A_122 = tpu.memref_slice %arg4[%arg0, %add3A_44, %dma_start3A_121] : memref<2x10112x16xf32, #tpu.memory_space<hbm>> -> memref<1x128x16xf32, #tpu.memory_space<hbm>>
      %dma_start3A_123 = tpu.memref_squeeze %dma_start3A_122 : memref<1x128x16xf32, #tpu.memory_space<hbm>> -> memref<128x16xf32, #tpu.memory_space<hbm>>
      tpu.enqueue_dma source(%arg9 : memref<128x16xf32, #tpu.memory_space<vmem>>) target(%dma_start3A_123 : memref<128x16xf32, #tpu.memory_space<hbm>>) target_semaphore(%run_scoped3A_117 : memref<!tpu.dma_semaphore, #tpu.memory_space<semaphore_mem>>)
      %dma_wait3A_124 = arith.constant 0 : i32
      %dma_wait3A_125 = tpu.memref_slice %arg4[%arg0, %add3A_44, %dma_wait3A_124] : memref<2x10112x16xf32, #tpu.memory_space<hbm>> -> memref<1x128x16xf32, #tpu.memory_space<hbm>>
      %dma_wait3A_126 = tpu.memref_squeeze %dma_wait3A_125 : memref<1x128x16xf32, #tpu.memory_space<hbm>> -> memref<128x16xf32, #tpu.memory_space<hbm>>
      %dma_wait3A_127 = arith.constant 0 : i32
      %dma_wait3A_128 = tpu.memref_slice %arg4[%arg0, %add3A_44, %dma_wait3A_127] : memref<2x10112x16xf32, #tpu.memory_space<hbm>> -> memref<1x128x16xf32, #tpu.memory_space<hbm>>
      %dma_wait3A_129 = tpu.memref_squeeze %dma_wait3A_128 : memref<1x128x16xf32, #tpu.memory_space<hbm>> -> memref<128x16xf32, #tpu.memory_space<hbm>>
      tpu.wait_dma2 semaphore(%run_scoped3A_117 : memref<!tpu.dma_semaphore, #tpu.memory_space<semaphore_mem>>) src(%arg9 : memref<128x16xf32, #tpu.memory_space<vmem>>) dst(%dma_wait3A_129 : memref<128x16xf32, #tpu.memory_space<hbm>>)
      tpu.yield
    }) : () -> ()
    %dma_start3A_45 = arith.constant 1 : i32
    %dma_start3A_46 = arith.constant 0 : i32
    %dma_start3A_47 = tpu.memref_slice %arg6[%dma_start3A_45, %dma_start3A_46] : memref<5x128xi32, #tpu.memory_space<vmem>> -> memref<1x128xi32, #tpu.memory_space<vmem>>
    %dma_start3A_48 = tpu.memref_squeeze %dma_start3A_47 : memref<1x128xi32, #tpu.memory_space<vmem>> -> memref<128xi32, #tpu.memory_space<vmem>>
    %dma_start3A_49 = arith.constant 0 : i32
    %dma_start3A_50 = arith.constant 0 : i32
    %dma_start3A_51 = tpu.memref_slice %arg10[%dma_start3A_49, %dma_start3A_50] : memref<10112x16xf32, #tpu.memory_space<vmem_shared>> -> memref<10112x16xf32, #tpu.memory_space<vmem_shared>>
    tpu.enqueue_indirect_dma source(%dma_start3A_51 : memref<10112x16xf32, #tpu.memory_space<vmem_shared>>) target(%arg9 : memref<128x16xf32, #tpu.memory_space<vmem>>) offsets(%dma_start3A_48 : memref<128xi32, #tpu.memory_space<vmem>>) semaphore(%arg11 : memref<!tpu.dma_semaphore, #tpu.memory_space<semaphore_mem>>)
    %dma_wait3A_52 = arith.constant 1 : i32
    %dma_wait3A_53 = arith.constant 0 : i32
    %dma_wait3A_54 = tpu.memref_slice %arg6[%dma_wait3A_52, %dma_wait3A_53] : memref<5x128xi32, #tpu.memory_space<vmem>> -> memref<1x128xi32, #tpu.memory_space<vmem>>
    %dma_wait3A_55 = tpu.memref_squeeze %dma_wait3A_54 : memref<1x128xi32, #tpu.memory_space<vmem>> -> memref<128xi32, #tpu.memory_space<vmem>>
    %dma_wait3A_56 = arith.constant 0 : i32
    %dma_wait3A_57 = arith.constant 0 : i32
    %dma_wait3A_58 = tpu.memref_slice %arg10[%dma_wait3A_56, %dma_wait3A_57] : memref<10112x16xf32, #tpu.memory_space<vmem_shared>> -> memref<10112x16xf32, #tpu.memory_space<vmem_shared>>
    tpu.wait_indirect_dma semaphore(%arg11 : memref<!tpu.dma_semaphore, #tpu.memory_space<semaphore_mem>>) src(%dma_wait3A_58 : memref<10112x16xf32, #tpu.memory_space<vmem_shared>>) dst(%arg9 : memref<128x16xf32, #tpu.memory_space<vmem>>)
    %mul3A_59 = arith.constant 632 : i32
    %mul3A_60 = arith.muli %arg1, %mul3A_59 : i32
    %add3A_61 = arith.constant 128 : i32
    %add3A_62 = arith.addi %mul3A_60, %add3A_61 : i32
    "tpu.region"() ({
      %run_scoped3A_117 = tpu.sem_alloc : memref<!tpu.dma_semaphore, #tpu.memory_space<semaphore_mem>>
      %dma_start3A_118 = arith.constant 0 : i32
      %dma_start3A_119 = tpu.memref_slice %arg4[%arg0, %add3A_62, %dma_start3A_118] : memref<2x10112x16xf32, #tpu.memory_space<hbm>> -> memref<1x128x16xf32, #tpu.memory_space<hbm>>
      %dma_start3A_120 = tpu.memref_squeeze %dma_start3A_119 : memref<1x128x16xf32, #tpu.memory_space<hbm>> -> memref<128x16xf32, #tpu.memory_space<hbm>>
      %dma_start3A_121 = arith.constant 0 : i32
      %dma_start3A_122 = tpu.memref_slice %arg4[%arg0, %add3A_62, %dma_start3A_121] : memref<2x10112x16xf32, #tpu.memory_space<hbm>> -> memref<1x128x16xf32, #tpu.memory_space<hbm>>
      %dma_start3A_123 = tpu.memref_squeeze %dma_start3A_122 : memref<1x128x16xf32, #tpu.memory_space<hbm>> -> memref<128x16xf32, #tpu.memory_space<hbm>>
      tpu.enqueue_dma source(%arg9 : memref<128x16xf32, #tpu.memory_space<vmem>>) target(%dma_start3A_123 : memref<128x16xf32, #tpu.memory_space<hbm>>) target_semaphore(%run_scoped3A_117 : memref<!tpu.dma_semaphore, #tpu.memory_space<semaphore_mem>>)
      %dma_wait3A_124 = arith.constant 0 : i32
      %dma_wait3A_125 = tpu.memref_slice %arg4[%arg0, %add3A_62, %dma_wait3A_124] : memref<2x10112x16xf32, #tpu.memory_space<hbm>> -> memref<1x128x16xf32, #tpu.memory_space<hbm>>
      %dma_wait3A_126 = tpu.memref_squeeze %dma_wait3A_125 : memref<1x128x16xf32, #tpu.memory_space<hbm>> -> memref<128x16xf32, #tpu.memory_space<hbm>>
      %dma_wait3A_127 = arith.constant 0 : i32
      %dma_wait3A_128 = tpu.memref_slice %arg4[%arg0, %add3A_62, %dma_wait3A_127] : memref<2x10112x16xf32, #tpu.memory_space<hbm>> -> memref<1x128x16xf32, #tpu.memory_space<hbm>>
      %dma_wait3A_129 = tpu.memref_squeeze %dma_wait3A_128 : memref<1x128x16xf32, #tpu.memory_space<hbm>> -> memref<128x16xf32, #tpu.memory_space<hbm>>
      tpu.wait_dma2 semaphore(%run_scoped3A_117 : memref<!tpu.dma_semaphore, #tpu.memory_space<semaphore_mem>>) src(%arg9 : memref<128x16xf32, #tpu.memory_space<vmem>>) dst(%dma_wait3A_129 : memref<128x16xf32, #tpu.memory_space<hbm>>)
      tpu.yield
    }) : () -> ()
    %dma_start3A_63 = arith.constant 2 : i32
    %dma_start3A_64 = arith.constant 0 : i32
    %dma_start3A_65 = tpu.memref_slice %arg6[%dma_start3A_63, %dma_start3A_64] : memref<5x128xi32, #tpu.memory_space<vmem>> -> memref<1x128xi32, #tpu.memory_space<vmem>>
    %dma_start3A_66 = tpu.memref_squeeze %dma_start3A_65 : memref<1x128xi32, #tpu.memory_space<vmem>> -> memref<128xi32, #tpu.memory_space<vmem>>
    %dma_start3A_67 = arith.constant 0 : i32
    %dma_start3A_68 = arith.constant 0 : i32
    %dma_start3A_69 = tpu.memref_slice %arg10[%dma_start3A_67, %dma_start3A_68] : memref<10112x16xf32, #tpu.memory_space<vmem_shared>> -> memref<10112x16xf32, #tpu.memory_space<vmem_shared>>
    tpu.enqueue_indirect_dma source(%dma_start3A_69 : memref<10112x16xf32, #tpu.memory_space<vmem_shared>>) target(%arg9 : memref<128x16xf32, #tpu.memory_space<vmem>>) offsets(%dma_start3A_66 : memref<128xi32, #tpu.memory_space<vmem>>) semaphore(%arg11 : memref<!tpu.dma_semaphore, #tpu.memory_space<semaphore_mem>>)
    %dma_wait3A_70 = arith.constant 2 : i32
    %dma_wait3A_71 = arith.constant 0 : i32
    %dma_wait3A_72 = tpu.memref_slice %arg6[%dma_wait3A_70, %dma_wait3A_71] : memref<5x128xi32, #tpu.memory_space<vmem>> -> memref<1x128xi32, #tpu.memory_space<vmem>>
    %dma_wait3A_73 = tpu.memref_squeeze %dma_wait3A_72 : memref<1x128xi32, #tpu.memory_space<vmem>> -> memref<128xi32, #tpu.memory_space<vmem>>
    %dma_wait3A_74 = arith.constant 0 : i32
    %dma_wait3A_75 = arith.constant 0 : i32
    %dma_wait3A_76 = tpu.memref_slice %arg10[%dma_wait3A_74, %dma_wait3A_75] : memref<10112x16xf32, #tpu.memory_space<vmem_shared>> -> memref<10112x16xf32, #tpu.memory_space<vmem_shared>>
    tpu.wait_indirect_dma semaphore(%arg11 : memref<!tpu.dma_semaphore, #tpu.memory_space<semaphore_mem>>) src(%dma_wait3A_76 : memref<10112x16xf32, #tpu.memory_space<vmem_shared>>) dst(%arg9 : memref<128x16xf32, #tpu.memory_space<vmem>>)
    %mul3A_77 = arith.constant 632 : i32
    %mul3A_78 = arith.muli %arg1, %mul3A_77 : i32
    %add3A_79 = arith.constant 256 : i32
    %add3A_80 = arith.addi %mul3A_78, %add3A_79 : i32
    "tpu.region"() ({
      %run_scoped3A_117 = tpu.sem_alloc : memref<!tpu.dma_semaphore, #tpu.memory_space<semaphore_mem>>
      %dma_start3A_118 = arith.constant 0 : i32
      %dma_start3A_119 = tpu.memref_slice %arg4[%arg0, %add3A_80, %dma_start3A_118] : memref<2x10112x16xf32, #tpu.memory_space<hbm>> -> memref<1x128x16xf32, #tpu.memory_space<hbm>>
      %dma_start3A_120 = tpu.memref_squeeze %dma_start3A_119 : memref<1x128x16xf32, #tpu.memory_space<hbm>> -> memref<128x16xf32, #tpu.memory_space<hbm>>
      %dma_start3A_121 = arith.constant 0 : i32
      %dma_start3A_122 = tpu.memref_slice %arg4[%arg0, %add3A_80, %dma_start3A_121] : memref<2x10112x16xf32, #tpu.memory_space<hbm>> -> memref<1x128x16xf32, #tpu.memory_space<hbm>>
      %dma_start3A_123 = tpu.memref_squeeze %dma_start3A_122 : memref<1x128x16xf32, #tpu.memory_space<hbm>> -> memref<128x16xf32, #tpu.memory_space<hbm>>
      tpu.enqueue_dma source(%arg9 : memref<128x16xf32, #tpu.memory_space<vmem>>) target(%dma_start3A_123 : memref<128x16xf32, #tpu.memory_space<hbm>>) target_semaphore(%run_scoped3A_117 : memref<!tpu.dma_semaphore, #tpu.memory_space<semaphore_mem>>)
      %dma_wait3A_124 = arith.constant 0 : i32
      %dma_wait3A_125 = tpu.memref_slice %arg4[%arg0, %add3A_80, %dma_wait3A_124] : memref<2x10112x16xf32, #tpu.memory_space<hbm>> -> memref<1x128x16xf32, #tpu.memory_space<hbm>>
      %dma_wait3A_126 = tpu.memref_squeeze %dma_wait3A_125 : memref<1x128x16xf32, #tpu.memory_space<hbm>> -> memref<128x16xf32, #tpu.memory_space<hbm>>
      %dma_wait3A_127 = arith.constant 0 : i32
      %dma_wait3A_128 = tpu.memref_slice %arg4[%arg0, %add3A_80, %dma_wait3A_127] : memref<2x10112x16xf32, #tpu.memory_space<hbm>> -> memref<1x128x16xf32, #tpu.memory_space<hbm>>
      %dma_wait3A_129 = tpu.memref_squeeze %dma_wait3A_128 : memref<1x128x16xf32, #tpu.memory_space<hbm>> -> memref<128x16xf32, #tpu.memory_space<hbm>>
      tpu.wait_dma2 semaphore(%run_scoped3A_117 : memref<!tpu.dma_semaphore, #tpu.memory_space<semaphore_mem>>) src(%arg9 : memref<128x16xf32, #tpu.memory_space<vmem>>) dst(%dma_wait3A_129 : memref<128x16xf32, #tpu.memory_space<hbm>>)
      tpu.yield
    }) : () -> ()
    %dma_start3A_81 = arith.constant 3 : i32
    %dma_start3A_82 = arith.constant 0 : i32
    %dma_start3A_83 = tpu.memref_slice %arg6[%dma_start3A_81, %dma_start3A_82] : memref<5x128xi32, #tpu.memory_space<vmem>> -> memref<1x128xi32, #tpu.memory_space<vmem>>
    %dma_start3A_84 = tpu.memref_squeeze %dma_start3A_83 : memref<1x128xi32, #tpu.memory_space<vmem>> -> memref<128xi32, #tpu.memory_space<vmem>>
    %dma_start3A_85 = arith.constant 0 : i32
    %dma_start3A_86 = arith.constant 0 : i32
    %dma_start3A_87 = tpu.memref_slice %arg10[%dma_start3A_85, %dma_start3A_86] : memref<10112x16xf32, #tpu.memory_space<vmem_shared>> -> memref<10112x16xf32, #tpu.memory_space<vmem_shared>>
    tpu.enqueue_indirect_dma source(%dma_start3A_87 : memref<10112x16xf32, #tpu.memory_space<vmem_shared>>) target(%arg9 : memref<128x16xf32, #tpu.memory_space<vmem>>) offsets(%dma_start3A_84 : memref<128xi32, #tpu.memory_space<vmem>>) semaphore(%arg11 : memref<!tpu.dma_semaphore, #tpu.memory_space<semaphore_mem>>)
    %dma_wait3A_88 = arith.constant 3 : i32
    %dma_wait3A_89 = arith.constant 0 : i32
    %dma_wait3A_90 = tpu.memref_slice %arg6[%dma_wait3A_88, %dma_wait3A_89] : memref<5x128xi32, #tpu.memory_space<vmem>> -> memref<1x128xi32, #tpu.memory_space<vmem>>
    %dma_wait3A_91 = tpu.memref_squeeze %dma_wait3A_90 : memref<1x128xi32, #tpu.memory_space<vmem>> -> memref<128xi32, #tpu.memory_space<vmem>>
    %dma_wait3A_92 = arith.constant 0 : i32
    %dma_wait3A_93 = arith.constant 0 : i32
    %dma_wait3A_94 = tpu.memref_slice %arg10[%dma_wait3A_92, %dma_wait3A_93] : memref<10112x16xf32, #tpu.memory_space<vmem_shared>> -> memref<10112x16xf32, #tpu.memory_space<vmem_shared>>
    tpu.wait_indirect_dma semaphore(%arg11 : memref<!tpu.dma_semaphore, #tpu.memory_space<semaphore_mem>>) src(%dma_wait3A_94 : memref<10112x16xf32, #tpu.memory_space<vmem_shared>>) dst(%arg9 : memref<128x16xf32, #tpu.memory_space<vmem>>)
    %mul3A_95 = arith.constant 632 : i32
    %mul3A_96 = arith.muli %arg1, %mul3A_95 : i32
    %add3A_97 = arith.constant 384 : i32
    %add3A_98 = arith.addi %mul3A_96, %add3A_97 : i32
    "tpu.region"() ({
      %run_scoped3A_117 = tpu.sem_alloc : memref<!tpu.dma_semaphore, #tpu.memory_space<semaphore_mem>>
      %dma_start3A_118 = arith.constant 0 : i32
      %dma_start3A_119 = tpu.memref_slice %arg4[%arg0, %add3A_98, %dma_start3A_118] : memref<2x10112x16xf32, #tpu.memory_space<hbm>> -> memref<1x128x16xf32, #tpu.memory_space<hbm>>
      %dma_start3A_120 = tpu.memref_squeeze %dma_start3A_119 : memref<1x128x16xf32, #tpu.memory_space<hbm>> -> memref<128x16xf32, #tpu.memory_space<hbm>>
      %dma_start3A_121 = arith.constant 0 : i32
      %dma_start3A_122 = tpu.memref_slice %arg4[%arg0, %add3A_98, %dma_start3A_121] : memref<2x10112x16xf32, #tpu.memory_space<hbm>> -> memref<1x128x16xf32, #tpu.memory_space<hbm>>
      %dma_start3A_123 = tpu.memref_squeeze %dma_start3A_122 : memref<1x128x16xf32, #tpu.memory_space<hbm>> -> memref<128x16xf32, #tpu.memory_space<hbm>>
      tpu.enqueue_dma source(%arg9 : memref<128x16xf32, #tpu.memory_space<vmem>>) target(%dma_start3A_123 : memref<128x16xf32, #tpu.memory_space<hbm>>) target_semaphore(%run_scoped3A_117 : memref<!tpu.dma_semaphore, #tpu.memory_space<semaphore_mem>>)
      %dma_wait3A_124 = arith.constant 0 : i32
      %dma_wait3A_125 = tpu.memref_slice %arg4[%arg0, %add3A_98, %dma_wait3A_124] : memref<2x10112x16xf32, #tpu.memory_space<hbm>> -> memref<1x128x16xf32, #tpu.memory_space<hbm>>
      %dma_wait3A_126 = tpu.memref_squeeze %dma_wait3A_125 : memref<1x128x16xf32, #tpu.memory_space<hbm>> -> memref<128x16xf32, #tpu.memory_space<hbm>>
      %dma_wait3A_127 = arith.constant 0 : i32
      %dma_wait3A_128 = tpu.memref_slice %arg4[%arg0, %add3A_98, %dma_wait3A_127] : memref<2x10112x16xf32, #tpu.memory_space<hbm>> -> memref<1x128x16xf32, #tpu.memory_space<hbm>>
      %dma_wait3A_129 = tpu.memref_squeeze %dma_wait3A_128 : memref<1x128x16xf32, #tpu.memory_space<hbm>> -> memref<128x16xf32, #tpu.memory_space<hbm>>
      tpu.wait_dma2 semaphore(%run_scoped3A_117 : memref<!tpu.dma_semaphore, #tpu.memory_space<semaphore_mem>>) src(%arg9 : memref<128x16xf32, #tpu.memory_space<vmem>>) dst(%dma_wait3A_129 : memref<128x16xf32, #tpu.memory_space<hbm>>)
      tpu.yield
    }) : () -> ()
    %dma_start3A_99 = arith.constant 4 : i32
    %dma_start3A_100 = arith.constant 0 : i32
    %dma_start3A_101 = tpu.memref_slice %arg6[%dma_start3A_99, %dma_start3A_100] : memref<5x128xi32, #tpu.memory_space<vmem>> -> memref<1x128xi32, #tpu.memory_space<vmem>>
    %dma_start3A_102 = tpu.memref_squeeze %dma_start3A_101 : memref<1x128xi32, #tpu.memory_space<vmem>> -> memref<128xi32, #tpu.memory_space<vmem>>
    %dma_start3A_103 = arith.constant 0 : i32
    %dma_start3A_104 = arith.constant 0 : i32
    %dma_start3A_105 = tpu.memref_slice %arg10[%dma_start3A_103, %dma_start3A_104] : memref<10112x16xf32, #tpu.memory_space<vmem_shared>> -> memref<10112x16xf32, #tpu.memory_space<vmem_shared>>
    tpu.enqueue_indirect_dma source(%dma_start3A_105 : memref<10112x16xf32, #tpu.memory_space<vmem_shared>>) target(%arg9 : memref<128x16xf32, #tpu.memory_space<vmem>>) offsets(%dma_start3A_102 : memref<128xi32, #tpu.memory_space<vmem>>) semaphore(%arg11 : memref<!tpu.dma_semaphore, #tpu.memory_space<semaphore_mem>>)
    %dma_wait3A_106 = arith.constant 4 : i32
    %dma_wait3A_107 = arith.constant 0 : i32
    %dma_wait3A_108 = tpu.memref_slice %arg6[%dma_wait3A_106, %dma_wait3A_107] : memref<5x128xi32, #tpu.memory_space<vmem>> -> memref<1x128xi32, #tpu.memory_space<vmem>>
    %dma_wait3A_109 = tpu.memref_squeeze %dma_wait3A_108 : memref<1x128xi32, #tpu.memory_space<vmem>> -> memref<128xi32, #tpu.memory_space<vmem>>
    %dma_wait3A_110 = arith.constant 0 : i32
    %dma_wait3A_111 = arith.constant 0 : i32
    %dma_wait3A_112 = tpu.memref_slice %arg10[%dma_wait3A_110, %dma_wait3A_111] : memref<10112x16xf32, #tpu.memory_space<vmem_shared>> -> memref<10112x16xf32, #tpu.memory_space<vmem_shared>>
    tpu.wait_indirect_dma semaphore(%arg11 : memref<!tpu.dma_semaphore, #tpu.memory_space<semaphore_mem>>) src(%dma_wait3A_112 : memref<10112x16xf32, #tpu.memory_space<vmem_shared>>) dst(%arg9 : memref<128x16xf32, #tpu.memory_space<vmem>>)
    %mul3A_113 = arith.constant 632 : i32
    %mul3A_114 = arith.muli %arg1, %mul3A_113 : i32
    %add3A_115 = arith.constant 504 : i32
    %add3A_116 = arith.addi %mul3A_114, %add3A_115 : i32
    "tpu.region"() ({
      %run_scoped3A_117 = tpu.sem_alloc : memref<!tpu.dma_semaphore, #tpu.memory_space<semaphore_mem>>
      %dma_start3A_118 = arith.constant 0 : i32
      %dma_start3A_119 = tpu.memref_slice %arg4[%arg0, %add3A_116, %dma_start3A_118] : memref<2x10112x16xf32, #tpu.memory_space<hbm>> -> memref<1x128x16xf32, #tpu.memory_space<hbm>>
      %dma_start3A_120 = tpu.memref_squeeze %dma_start3A_119 : memref<1x128x16xf32, #tpu.memory_space<hbm>> -> memref<128x16xf32, #tpu.memory_space<hbm>>
      %dma_start3A_121 = arith.constant 0 : i32
      %dma_start3A_122 = tpu.memref_slice %arg4[%arg0, %add3A_116, %dma_start3A_121] : memref<2x10112x16xf32, #tpu.memory_space<hbm>> -> memref<1x128x16xf32, #tpu.memory_space<hbm>>
      %dma_start3A_123 = tpu.memref_squeeze %dma_start3A_122 : memref<1x128x16xf32, #tpu.memory_space<hbm>> -> memref<128x16xf32, #tpu.memory_space<hbm>>
      tpu.enqueue_dma source(%arg9 : memref<128x16xf32, #tpu.memory_space<vmem>>) target(%dma_start3A_123 : memref<128x16xf32, #tpu.memory_space<hbm>>) target_semaphore(%run_scoped3A_117 : memref<!tpu.dma_semaphore, #tpu.memory_space<semaphore_mem>>)
      %dma_wait3A_124 = arith.constant 0 : i32
      %dma_wait3A_125 = tpu.memref_slice %arg4[%arg0, %add3A_116, %dma_wait3A_124] : memref<2x10112x16xf32, #tpu.memory_space<hbm>> -> memref<1x128x16xf32, #tpu.memory_space<hbm>>
      %dma_wait3A_126 = tpu.memref_squeeze %dma_wait3A_125 : memref<1x128x16xf32, #tpu.memory_space<hbm>> -> memref<128x16xf32, #tpu.memory_space<hbm>>
      %dma_wait3A_127 = arith.constant 0 : i32
      %dma_wait3A_128 = tpu.memref_slice %arg4[%arg0, %add3A_116, %dma_wait3A_127] : memref<2x10112x16xf32, #tpu.memory_space<hbm>> -> memref<1x128x16xf32, #tpu.memory_space<hbm>>
      %dma_wait3A_129 = tpu.memref_squeeze %dma_wait3A_128 : memref<1x128x16xf32, #tpu.memory_space<hbm>> -> memref<128x16xf32, #tpu.memory_space<hbm>>
      tpu.wait_dma2 semaphore(%run_scoped3A_117 : memref<!tpu.dma_semaphore, #tpu.memory_space<semaphore_mem>>) src(%arg9 : memref<128x16xf32, #tpu.memory_space<vmem>>) dst(%dma_wait3A_129 : memref<128x16xf32, #tpu.memory_space<hbm>>)
      tpu.yield
    }) : () -> ()
    return
  }
}

#map = affine_map<(d0, d1) -> (0, 0)>
#map1 = affine_map<(d0, d1) -> (0, 0, 0)>
module attributes {stable_mosaic.version = 14 : i64} {
  func.func @edge_kernel(%arg0: i32, %arg1: i32, %arg2: memref<10000x128xf32, #tpu.memory_space<hbm>>, %arg3: memref<32x80x128xi32, #tpu.memory_space<hbm>>, %arg4: memref<32x80x128xi32, #tpu.memory_space<hbm>>, %arg5: memref<16x5x128xi32, #tpu.memory_space<hbm>>, %arg6: memref<2x10112x128xf32, #tpu.memory_space<hbm>>, %arg7: memref<40x128xi32, #tpu.memory_space<vmem>>, %arg8: memref<40x128xi32, #tpu.memory_space<vmem>>, %arg9: memref<5x128xi32, #tpu.memory_space<vmem>>, %arg10: memref<128x128xf32, #tpu.memory_space<vmem>>, %arg11: memref<10112x128xf32, #tpu.memory_space<vmem_shared>>, %arg12: memref<!tpu.dma_semaphore, #tpu.memory_space<semaphore_mem>>) attributes {dimension_semantics = [#tpu.dimension_semantics<core_parallel>, #tpu.dimension_semantics<subcore_parallel>], iteration_bounds = array<i64: 2, 16>, scalar_prefetch = 0 : i64, scratch_operands = 6 : i64, tpu.core_type = #tpu.core_type<sc_vector_subcore>, window_params = [{transform_indices = #map}, {transform_indices = #map1}, {transform_indices = #map1}, {transform_indices = #map1}, {transform_indices = #map1}]} {
    %mul3A = arith.constant 2 : i32
    %mul3A_0 = arith.muli %arg1, %mul3A : i32
    %add3A = arith.addi %mul3A_0, %arg0 : i32
    %broadcast_in_dim3A = arith.constant 0.000000e+00 : f32
    %broadcast_in_dim3A_1 = vector.broadcast %broadcast_in_dim3A : f32 to vector<16xf32>
    %scan3A = arith.constant 0 : i32
    %scan3A_2 = arith.constant 0 : i32
    %scan3A_3 = arith.constant 1024 : i32
    %scan3A_4 = arith.addi %scan3A_2, %scan3A_3 : i32
    %scan3A_5 = arith.constant 1 : i32
    %scan3A_6 = scf.for %scan3A_115 = %scan3A_2 to %scan3A_4 step %scan3A_5 iter_args(%scan3A_116 = %scan3A) -> (i32)  : i32 {
      %jit3A = arith.constant 8 : i32
      %div3A = arith.divsi %scan3A_115, %jit3A : i32
      %sign3A = arith.constant 0 : i32
      %sign3A_117 = arith.cmpi sgt, %scan3A_115, %sign3A : i32
      %sign3A_118 = arith.extui %sign3A_117 : i1 to i32
      %sign3A_119 = arith.constant 0 : i32
      %sign3A_120 = arith.cmpi slt, %scan3A_115, %sign3A_119 : i32
      %sign3A_121 = arith.extui %sign3A_120 : i1 to i32
      %sign3A_122 = arith.subi %sign3A_118, %sign3A_121 : i32
      %sign3A_123 = arith.constant 0 : i32
      %sign3A_124 = arith.cmpi sgt, %jit3A, %sign3A_123 : i32
      %sign3A_125 = arith.extui %sign3A_124 : i1 to i32
      %sign3A_126 = arith.constant 0 : i32
      %sign3A_127 = arith.cmpi slt, %jit3A, %sign3A_126 : i32
      %sign3A_128 = arith.extui %sign3A_127 : i1 to i32
      %sign3A_129 = arith.subi %sign3A_125, %sign3A_128 : i32
      %ne3A = arith.cmpi ne, %sign3A_122, %sign3A_129 : i32
      %rem3A = arith.remsi %scan3A_115, %jit3A : i32
      %ne3A_130 = arith.constant 0 : i32
      %ne3A_131 = arith.cmpi ne, %rem3A, %ne3A_130 : i32
      %and3A = arith.andi %ne3A, %ne3A_131 : i1
      %sub3A = arith.constant 1 : i32
      %sub3A_132 = arith.subi %div3A, %sub3A : i32
      %select_n3A = arith.select %and3A, %sub3A_132, %div3A : i32
      %jit3A_133 = arith.constant 8 : i32
      %eq3A = arith.constant 0 : i32
      %eq3A_134 = arith.cmpi eq, %jit3A_133, %eq3A : i32
      %jit3A_135 = arith.constant 1 : i32
      %select_n3A_136 = arith.select %eq3A_134, %jit3A_135, %jit3A_133 : i32
      %rem3A_137 = arith.remsi %scan3A_115, %select_n3A_136 : i32
      %ne3A_138 = arith.constant 0 : i32
      %ne3A_139 = arith.cmpi ne, %rem3A_137, %ne3A_138 : i32
      %lt3A = arith.constant 0 : i32
      %lt3A_140 = arith.cmpi slt, %rem3A_137, %lt3A : i32
      %lt3A_141 = arith.constant 0 : i32
      %lt3A_142 = arith.cmpi slt, %select_n3A_136, %lt3A_141 : i32
      %ne3A_143 = arith.xori %lt3A_140, %lt3A_142 : i1
      %and3A_144 = arith.andi %ne3A_143, %ne3A_139 : i1
      %add3A_145 = arith.addi %rem3A_137, %select_n3A_136 : i32
      %select_n3A_146 = arith.select %and3A_144, %add3A_145, %rem3A_137 : i32
      %mul3A_147 = arith.constant 16 : i32
      %mul3A_148 = arith.muli %select_n3A_146, %mul3A_147 : i32
      %swap3A = arith.index_cast %select_n3A : i32 to index
      %swap3A_149 = arith.index_cast %mul3A_148 : i32 to index
      %swap3A_150 = tpu.vector_load %arg10[%swap3A, %swap3A_149] {strides = array<i32>} : memref<128x128xf32, #tpu.memory_space<vmem>>, vector<1x16xf32>,
      %swap3A_151 = vector.shape_cast %swap3A_150 : vector<1x16xf32> to vector<16xf32>
      %swap3A_152 = vector.shape_cast %broadcast_in_dim3A_1 : vector<16xf32> to vector<1x16xf32>
      tpu.vector_store %arg10[%swap3A, %swap3A_149], %swap3A_152 {strides = array<i32>} : memref<128x128xf32, #tpu.memory_space<vmem>>, vector<1x16xf32>,
      %scan3A_153 = arith.constant 0 : i32
      scf.yield %scan3A_153 : i32
    }
    %scan3A_7 = arith.constant 1024 : i32
    "tpu.region"() ({
      %run_scoped3A_115 = tpu.sem_alloc : memref<!tpu.dma_semaphore, #tpu.memory_space<semaphore_mem>>
      %dma_start3A_116 = arith.constant 0 : i32
      %dma_start3A_117 = arith.constant 0 : i32
      %dma_start3A_118 = tpu.memref_slice %arg5[%arg1, %dma_start3A_116, %dma_start3A_117] : memref<16x5x128xi32, #tpu.memory_space<hbm>> -> memref<1x5x128xi32, #tpu.memory_space<hbm>>
      %dma_start3A_119 = tpu.memref_squeeze %dma_start3A_118 : memref<1x5x128xi32, #tpu.memory_space<hbm>> -> memref<5x128xi32, #tpu.memory_space<hbm>>
      %dma_start3A_120 = arith.constant 0 : i32
      %dma_start3A_121 = arith.constant 0 : i32
      %dma_start3A_122 = tpu.memref_slice %arg5[%arg1, %dma_start3A_120, %dma_start3A_121] : memref<16x5x128xi32, #tpu.memory_space<hbm>> -> memref<1x5x128xi32, #tpu.memory_space<hbm>>
      %dma_start3A_123 = tpu.memref_squeeze %dma_start3A_122 : memref<1x5x128xi32, #tpu.memory_space<hbm>> -> memref<5x128xi32, #tpu.memory_space<hbm>>
      tpu.enqueue_dma source(%dma_start3A_123 : memref<5x128xi32, #tpu.memory_space<hbm>>) target(%arg9 : memref<5x128xi32, #tpu.memory_space<vmem>>) target_semaphore(%run_scoped3A_115 : memref<!tpu.dma_semaphore, #tpu.memory_space<semaphore_mem>>)
      %dma_wait3A_124 = arith.constant 0 : i32
      %dma_wait3A_125 = arith.constant 0 : i32
      %dma_wait3A_126 = tpu.memref_slice %arg5[%arg1, %dma_wait3A_124, %dma_wait3A_125] : memref<16x5x128xi32, #tpu.memory_space<hbm>> -> memref<1x5x128xi32, #tpu.memory_space<hbm>>
      %dma_wait3A_127 = tpu.memref_squeeze %dma_wait3A_126 : memref<1x5x128xi32, #tpu.memory_space<hbm>> -> memref<5x128xi32, #tpu.memory_space<hbm>>
      %dma_wait3A_128 = arith.constant 0 : i32
      %dma_wait3A_129 = arith.constant 0 : i32
      %dma_wait3A_130 = tpu.memref_slice %arg5[%arg1, %dma_wait3A_128, %dma_wait3A_129] : memref<16x5x128xi32, #tpu.memory_space<hbm>> -> memref<1x5x128xi32, #tpu.memory_space<hbm>>
      %dma_wait3A_131 = tpu.memref_squeeze %dma_wait3A_130 : memref<1x5x128xi32, #tpu.memory_space<hbm>> -> memref<5x128xi32, #tpu.memory_space<hbm>>
      tpu.wait_dma2 semaphore(%run_scoped3A_115 : memref<!tpu.dma_semaphore, #tpu.memory_space<semaphore_mem>>) src(%dma_wait3A_131 : memref<5x128xi32, #tpu.memory_space<hbm>>) dst(%arg9 : memref<5x128xi32, #tpu.memory_space<vmem>>)
      tpu.yield
    }) : () -> ()
    %run_scoped3A = arith.constant 0 : i32
    "tpu.region"() ({
      %run_scoped3A_115 = tpu.sem_alloc : memref<!tpu.dma_semaphore, #tpu.memory_space<semaphore_mem>>
      %dma_start3A_116 = arith.constant 0 : i32
      %dma_start3A_117 = tpu.memref_slice %arg9[%run_scoped3A, %dma_start3A_116] : memref<5x128xi32, #tpu.memory_space<vmem>> -> memref<1x128xi32, #tpu.memory_space<vmem>>
      %dma_start3A_118 = tpu.memref_squeeze %dma_start3A_117 : memref<1x128xi32, #tpu.memory_space<vmem>> -> memref<128xi32, #tpu.memory_space<vmem>>
      %dma_start3A_119 = arith.constant 0 : i32
      %dma_start3A_120 = arith.constant 0 : i32
      %dma_start3A_121 = tpu.memref_slice %arg11[%dma_start3A_119, %dma_start3A_120] : memref<10112x128xf32, #tpu.memory_space<vmem_shared>> -> memref<10112x128xf32, #tpu.memory_space<vmem_shared>>
      tpu.enqueue_indirect_dma source(%arg10 : memref<128x128xf32, #tpu.memory_space<vmem>>) target(%dma_start3A_121 : memref<10112x128xf32, #tpu.memory_space<vmem_shared>>) offsets(%dma_start3A_118 : memref<128xi32, #tpu.memory_space<vmem>>) semaphore(%run_scoped3A_115 : memref<!tpu.dma_semaphore, #tpu.memory_space<semaphore_mem>>)
      %dma_wait3A_122 = arith.constant 0 : i32
      %dma_wait3A_123 = tpu.memref_slice %arg9[%run_scoped3A, %dma_wait3A_122] : memref<5x128xi32, #tpu.memory_space<vmem>> -> memref<1x128xi32, #tpu.memory_space<vmem>>
      %dma_wait3A_124 = tpu.memref_squeeze %dma_wait3A_123 : memref<1x128xi32, #tpu.memory_space<vmem>> -> memref<128xi32, #tpu.memory_space<vmem>>
      %dma_wait3A_125 = arith.constant 0 : i32
      %dma_wait3A_126 = arith.constant 0 : i32
      %dma_wait3A_127 = tpu.memref_slice %arg11[%dma_wait3A_125, %dma_wait3A_126] : memref<10112x128xf32, #tpu.memory_space<vmem_shared>> -> memref<10112x128xf32, #tpu.memory_space<vmem_shared>>
      tpu.wait_indirect_dma semaphore(%run_scoped3A_115 : memref<!tpu.dma_semaphore, #tpu.memory_space<semaphore_mem>>) src(%arg10 : memref<128x128xf32, #tpu.memory_space<vmem>>) dst(%dma_wait3A_127 : memref<10112x128xf32, #tpu.memory_space<vmem_shared>>)
      tpu.yield
    }) : () -> ()
    %run_scoped3A_8 = arith.constant 1 : i32
    "tpu.region"() ({
      %run_scoped3A_115 = tpu.sem_alloc : memref<!tpu.dma_semaphore, #tpu.memory_space<semaphore_mem>>
      %dma_start3A_116 = arith.constant 0 : i32
      %dma_start3A_117 = tpu.memref_slice %arg9[%run_scoped3A_8, %dma_start3A_116] : memref<5x128xi32, #tpu.memory_space<vmem>> -> memref<1x128xi32, #tpu.memory_space<vmem>>
      %dma_start3A_118 = tpu.memref_squeeze %dma_start3A_117 : memref<1x128xi32, #tpu.memory_space<vmem>> -> memref<128xi32, #tpu.memory_space<vmem>>
      %dma_start3A_119 = arith.constant 0 : i32
      %dma_start3A_120 = arith.constant 0 : i32
      %dma_start3A_121 = tpu.memref_slice %arg11[%dma_start3A_119, %dma_start3A_120] : memref<10112x128xf32, #tpu.memory_space<vmem_shared>> -> memref<10112x128xf32, #tpu.memory_space<vmem_shared>>
      tpu.enqueue_indirect_dma source(%arg10 : memref<128x128xf32, #tpu.memory_space<vmem>>) target(%dma_start3A_121 : memref<10112x128xf32, #tpu.memory_space<vmem_shared>>) offsets(%dma_start3A_118 : memref<128xi32, #tpu.memory_space<vmem>>) semaphore(%run_scoped3A_115 : memref<!tpu.dma_semaphore, #tpu.memory_space<semaphore_mem>>)
      %dma_wait3A_122 = arith.constant 0 : i32
      %dma_wait3A_123 = tpu.memref_slice %arg9[%run_scoped3A_8, %dma_wait3A_122] : memref<5x128xi32, #tpu.memory_space<vmem>> -> memref<1x128xi32, #tpu.memory_space<vmem>>
      %dma_wait3A_124 = tpu.memref_squeeze %dma_wait3A_123 : memref<1x128xi32, #tpu.memory_space<vmem>> -> memref<128xi32, #tpu.memory_space<vmem>>
      %dma_wait3A_125 = arith.constant 0 : i32
      %dma_wait3A_126 = arith.constant 0 : i32
      %dma_wait3A_127 = tpu.memref_slice %arg11[%dma_wait3A_125, %dma_wait3A_126] : memref<10112x128xf32, #tpu.memory_space<vmem_shared>> -> memref<10112x128xf32, #tpu.memory_space<vmem_shared>>
      tpu.wait_indirect_dma semaphore(%run_scoped3A_115 : memref<!tpu.dma_semaphore, #tpu.memory_space<semaphore_mem>>) src(%arg10 : memref<128x128xf32, #tpu.memory_space<vmem>>) dst(%dma_wait3A_127 : memref<10112x128xf32, #tpu.memory_space<vmem_shared>>)
      tpu.yield
    }) : () -> ()
    %run_scoped3A_9 = arith.constant 2 : i32
    "tpu.region"() ({
      %run_scoped3A_115 = tpu.sem_alloc : memref<!tpu.dma_semaphore, #tpu.memory_space<semaphore_mem>>
      %dma_start3A_116 = arith.constant 0 : i32
      %dma_start3A_117 = tpu.memref_slice %arg9[%run_scoped3A_9, %dma_start3A_116] : memref<5x128xi32, #tpu.memory_space<vmem>> -> memref<1x128xi32, #tpu.memory_space<vmem>>
      %dma_start3A_118 = tpu.memref_squeeze %dma_start3A_117 : memref<1x128xi32, #tpu.memory_space<vmem>> -> memref<128xi32, #tpu.memory_space<vmem>>
      %dma_start3A_119 = arith.constant 0 : i32
      %dma_start3A_120 = arith.constant 0 : i32
      %dma_start3A_121 = tpu.memref_slice %arg11[%dma_start3A_119, %dma_start3A_120] : memref<10112x128xf32, #tpu.memory_space<vmem_shared>> -> memref<10112x128xf32, #tpu.memory_space<vmem_shared>>
      tpu.enqueue_indirect_dma source(%arg10 : memref<128x128xf32, #tpu.memory_space<vmem>>) target(%dma_start3A_121 : memref<10112x128xf32, #tpu.memory_space<vmem_shared>>) offsets(%dma_start3A_118 : memref<128xi32, #tpu.memory_space<vmem>>) semaphore(%run_scoped3A_115 : memref<!tpu.dma_semaphore, #tpu.memory_space<semaphore_mem>>)
      %dma_wait3A_122 = arith.constant 0 : i32
      %dma_wait3A_123 = tpu.memref_slice %arg9[%run_scoped3A_9, %dma_wait3A_122] : memref<5x128xi32, #tpu.memory_space<vmem>> -> memref<1x128xi32, #tpu.memory_space<vmem>>
      %dma_wait3A_124 = tpu.memref_squeeze %dma_wait3A_123 : memref<1x128xi32, #tpu.memory_space<vmem>> -> memref<128xi32, #tpu.memory_space<vmem>>
      %dma_wait3A_125 = arith.constant 0 : i32
      %dma_wait3A_126 = arith.constant 0 : i32
      %dma_wait3A_127 = tpu.memref_slice %arg11[%dma_wait3A_125, %dma_wait3A_126] : memref<10112x128xf32, #tpu.memory_space<vmem_shared>> -> memref<10112x128xf32, #tpu.memory_space<vmem_shared>>
      tpu.wait_indirect_dma semaphore(%run_scoped3A_115 : memref<!tpu.dma_semaphore, #tpu.memory_space<semaphore_mem>>) src(%arg10 : memref<128x128xf32, #tpu.memory_space<vmem>>) dst(%dma_wait3A_127 : memref<10112x128xf32, #tpu.memory_space<vmem_shared>>)
      tpu.yield
    }) : () -> ()
    %run_scoped3A_10 = arith.constant 3 : i32
    "tpu.region"() ({
      %run_scoped3A_115 = tpu.sem_alloc : memref<!tpu.dma_semaphore, #tpu.memory_space<semaphore_mem>>
      %dma_start3A_116 = arith.constant 0 : i32
      %dma_start3A_117 = tpu.memref_slice %arg9[%run_scoped3A_10, %dma_start3A_116] : memref<5x128xi32, #tpu.memory_space<vmem>> -> memref<1x128xi32, #tpu.memory_space<vmem>>
      %dma_start3A_118 = tpu.memref_squeeze %dma_start3A_117 : memref<1x128xi32, #tpu.memory_space<vmem>> -> memref<128xi32, #tpu.memory_space<vmem>>
      %dma_start3A_119 = arith.constant 0 : i32
      %dma_start3A_120 = arith.constant 0 : i32
      %dma_start3A_121 = tpu.memref_slice %arg11[%dma_start3A_119, %dma_start3A_120] : memref<10112x128xf32, #tpu.memory_space<vmem_shared>> -> memref<10112x128xf32, #tpu.memory_space<vmem_shared>>
      tpu.enqueue_indirect_dma source(%arg10 : memref<128x128xf32, #tpu.memory_space<vmem>>) target(%dma_start3A_121 : memref<10112x128xf32, #tpu.memory_space<vmem_shared>>) offsets(%dma_start3A_118 : memref<128xi32, #tpu.memory_space<vmem>>) semaphore(%run_scoped3A_115 : memref<!tpu.dma_semaphore, #tpu.memory_space<semaphore_mem>>)
      %dma_wait3A_122 = arith.constant 0 : i32
      %dma_wait3A_123 = tpu.memref_slice %arg9[%run_scoped3A_10, %dma_wait3A_122] : memref<5x128xi32, #tpu.memory_space<vmem>> -> memref<1x128xi32, #tpu.memory_space<vmem>>
      %dma_wait3A_124 = tpu.memref_squeeze %dma_wait3A_123 : memref<1x128xi32, #tpu.memory_space<vmem>> -> memref<128xi32, #tpu.memory_space<vmem>>
      %dma_wait3A_125 = arith.constant 0 : i32
      %dma_wait3A_126 = arith.constant 0 : i32
      %dma_wait3A_127 = tpu.memref_slice %arg11[%dma_wait3A_125, %dma_wait3A_126] : memref<10112x128xf32, #tpu.memory_space<vmem_shared>> -> memref<10112x128xf32, #tpu.memory_space<vmem_shared>>
      tpu.wait_indirect_dma semaphore(%run_scoped3A_115 : memref<!tpu.dma_semaphore, #tpu.memory_space<semaphore_mem>>) src(%arg10 : memref<128x128xf32, #tpu.memory_space<vmem>>) dst(%dma_wait3A_127 : memref<10112x128xf32, #tpu.memory_space<vmem_shared>>)
      tpu.yield
    }) : () -> ()
    %run_scoped3A_11 = arith.constant 4 : i32
    "tpu.region"() ({
      %run_scoped3A_115 = tpu.sem_alloc : memref<!tpu.dma_semaphore, #tpu.memory_space<semaphore_mem>>
      %dma_start3A_116 = arith.constant 0 : i32
      %dma_start3A_117 = tpu.memref_slice %arg9[%run_scoped3A_11, %dma_start3A_116] : memref<5x128xi32, #tpu.memory_space<vmem>> -> memref<1x128xi32, #tpu.memory_space<vmem>>
      %dma_start3A_118 = tpu.memref_squeeze %dma_start3A_117 : memref<1x128xi32, #tpu.memory_space<vmem>> -> memref<128xi32, #tpu.memory_space<vmem>>
      %dma_start3A_119 = arith.constant 0 : i32
      %dma_start3A_120 = arith.constant 0 : i32
      %dma_start3A_121 = tpu.memref_slice %arg11[%dma_start3A_119, %dma_start3A_120] : memref<10112x128xf32, #tpu.memory_space<vmem_shared>> -> memref<10112x128xf32, #tpu.memory_space<vmem_shared>>
      tpu.enqueue_indirect_dma source(%arg10 : memref<128x128xf32, #tpu.memory_space<vmem>>) target(%dma_start3A_121 : memref<10112x128xf32, #tpu.memory_space<vmem_shared>>) offsets(%dma_start3A_118 : memref<128xi32, #tpu.memory_space<vmem>>) semaphore(%run_scoped3A_115 : memref<!tpu.dma_semaphore, #tpu.memory_space<semaphore_mem>>)
      %dma_wait3A_122 = arith.constant 0 : i32
      %dma_wait3A_123 = tpu.memref_slice %arg9[%run_scoped3A_11, %dma_wait3A_122] : memref<5x128xi32, #tpu.memory_space<vmem>> -> memref<1x128xi32, #tpu.memory_space<vmem>>
      %dma_wait3A_124 = tpu.memref_squeeze %dma_wait3A_123 : memref<1x128xi32, #tpu.memory_space<vmem>> -> memref<128xi32, #tpu.memory_space<vmem>>
      %dma_wait3A_125 = arith.constant 0 : i32
      %dma_wait3A_126 = arith.constant 0 : i32
      %dma_wait3A_127 = tpu.memref_slice %arg11[%dma_wait3A_125, %dma_wait3A_126] : memref<10112x128xf32, #tpu.memory_space<vmem_shared>> -> memref<10112x128xf32, #tpu.memory_space<vmem_shared>>
      tpu.wait_indirect_dma semaphore(%run_scoped3A_115 : memref<!tpu.dma_semaphore, #tpu.memory_space<semaphore_mem>>) src(%arg10 : memref<128x128xf32, #tpu.memory_space<vmem>>) dst(%dma_wait3A_127 : memref<10112x128xf32, #tpu.memory_space<vmem_shared>>)
      tpu.yield
    }) : () -> ()
    %barrier3A = arith.constant 0 : index
    tpu.barrier barrier_id(%barrier3A)
    "tpu.region"() ({
      %run_scoped3A_115 = tpu.sem_alloc : memref<!tpu.dma_semaphore, #tpu.memory_space<semaphore_mem>>
      %dma_start3A_116 = arith.constant 0 : i32
      %dma_start3A_117 = arith.constant 0 : i32
      %dma_start3A_118 = tpu.memref_slice %arg3[%add3A, %dma_start3A_116, %dma_start3A_117] : memref<32x80x128xi32, #tpu.memory_space<hbm>> -> memref<1x40x128xi32, #tpu.memory_space<hbm>>
      %dma_start3A_119 = tpu.memref_squeeze %dma_start3A_118 : memref<1x40x128xi32, #tpu.memory_space<hbm>> -> memref<40x128xi32, #tpu.memory_space<hbm>>
      %dma_start3A_120 = arith.constant 0 : i32
      %dma_start3A_121 = arith.constant 0 : i32
      %dma_start3A_122 = tpu.memref_slice %arg3[%add3A, %dma_start3A_120, %dma_start3A_121] : memref<32x80x128xi32, #tpu.memory_space<hbm>> -> memref<1x40x128xi32, #tpu.memory_space<hbm>>
      %dma_start3A_123 = tpu.memref_squeeze %dma_start3A_122 : memref<1x40x128xi32, #tpu.memory_space<hbm>> -> memref<40x128xi32, #tpu.memory_space<hbm>>
      tpu.enqueue_dma source(%dma_start3A_123 : memref<40x128xi32, #tpu.memory_space<hbm>>) target(%arg7 : memref<40x128xi32, #tpu.memory_space<vmem>>) target_semaphore(%run_scoped3A_115 : memref<!tpu.dma_semaphore, #tpu.memory_space<semaphore_mem>>)
      %dma_wait3A_124 = arith.constant 0 : i32
      %dma_wait3A_125 = arith.constant 0 : i32
      %dma_wait3A_126 = tpu.memref_slice %arg3[%add3A, %dma_wait3A_124, %dma_wait3A_125] : memref<32x80x128xi32, #tpu.memory_space<hbm>> -> memref<1x40x128xi32, #tpu.memory_space<hbm>>
      %dma_wait3A_127 = tpu.memref_squeeze %dma_wait3A_126 : memref<1x40x128xi32, #tpu.memory_space<hbm>> -> memref<40x128xi32, #tpu.memory_space<hbm>>
      %dma_wait3A_128 = arith.constant 0 : i32
      %dma_wait3A_129 = arith.constant 0 : i32
      %dma_wait3A_130 = tpu.memref_slice %arg3[%add3A, %dma_wait3A_128, %dma_wait3A_129] : memref<32x80x128xi32, #tpu.memory_space<hbm>> -> memref<1x40x128xi32, #tpu.memory_space<hbm>>
      %dma_wait3A_131 = tpu.memref_squeeze %dma_wait3A_130 : memref<1x40x128xi32, #tpu.memory_space<hbm>> -> memref<40x128xi32, #tpu.memory_space<hbm>>
      tpu.wait_dma2 semaphore(%run_scoped3A_115 : memref<!tpu.dma_semaphore, #tpu.memory_space<semaphore_mem>>) src(%dma_wait3A_131 : memref<40x128xi32, #tpu.memory_space<hbm>>) dst(%arg7 : memref<40x128xi32, #tpu.memory_space<vmem>>)
      tpu.yield
    }) : () -> ()
    "tpu.region"() ({
      %run_scoped3A_115 = tpu.sem_alloc : memref<!tpu.dma_semaphore, #tpu.memory_space<semaphore_mem>>
      %dma_start3A_116 = arith.constant 0 : i32
      %dma_start3A_117 = arith.constant 0 : i32
      %dma_start3A_118 = tpu.memref_slice %arg4[%add3A, %dma_start3A_116, %dma_start3A_117] : memref<32x80x128xi32, #tpu.memory_space<hbm>> -> memref<1x40x128xi32, #tpu.memory_space<hbm>>
      %dma_start3A_119 = tpu.memref_squeeze %dma_start3A_118 : memref<1x40x128xi32, #tpu.memory_space<hbm>> -> memref<40x128xi32, #tpu.memory_space<hbm>>
      %dma_start3A_120 = arith.constant 0 : i32
      %dma_start3A_121 = arith.constant 0 : i32
      %dma_start3A_122 = tpu.memref_slice %arg4[%add3A, %dma_start3A_120, %dma_start3A_121] : memref<32x80x128xi32, #tpu.memory_space<hbm>> -> memref<1x40x128xi32, #tpu.memory_space<hbm>>
      %dma_start3A_123 = tpu.memref_squeeze %dma_start3A_122 : memref<1x40x128xi32, #tpu.memory_space<hbm>> -> memref<40x128xi32, #tpu.memory_space<hbm>>
      tpu.enqueue_dma source(%dma_start3A_123 : memref<40x128xi32, #tpu.memory_space<hbm>>) target(%arg8 : memref<40x128xi32, #tpu.memory_space<vmem>>) target_semaphore(%run_scoped3A_115 : memref<!tpu.dma_semaphore, #tpu.memory_space<semaphore_mem>>)
      %dma_wait3A_124 = arith.constant 0 : i32
      %dma_wait3A_125 = arith.constant 0 : i32
      %dma_wait3A_126 = tpu.memref_slice %arg4[%add3A, %dma_wait3A_124, %dma_wait3A_125] : memref<32x80x128xi32, #tpu.memory_space<hbm>> -> memref<1x40x128xi32, #tpu.memory_space<hbm>>
      %dma_wait3A_127 = tpu.memref_squeeze %dma_wait3A_126 : memref<1x40x128xi32, #tpu.memory_space<hbm>> -> memref<40x128xi32, #tpu.memory_space<hbm>>
      %dma_wait3A_128 = arith.constant 0 : i32
      %dma_wait3A_129 = arith.constant 0 : i32
      %dma_wait3A_130 = tpu.memref_slice %arg4[%add3A, %dma_wait3A_128, %dma_wait3A_129] : memref<32x80x128xi32, #tpu.memory_space<hbm>> -> memref<1x40x128xi32, #tpu.memory_space<hbm>>
      %dma_wait3A_131 = tpu.memref_squeeze %dma_wait3A_130 : memref<1x40x128xi32, #tpu.memory_space<hbm>> -> memref<40x128xi32, #tpu.memory_space<hbm>>
      tpu.wait_dma2 semaphore(%run_scoped3A_115 : memref<!tpu.dma_semaphore, #tpu.memory_space<semaphore_mem>>) src(%dma_wait3A_131 : memref<40x128xi32, #tpu.memory_space<hbm>>) dst(%arg8 : memref<40x128xi32, #tpu.memory_space<vmem>>)
      tpu.yield
    }) : () -> ()
    %scan3A_12 = arith.constant 0 : i32
    %scan3A_13 = arith.constant 0 : i32
    %scan3A_14 = arith.constant 40 : i32
    %scan3A_15 = arith.addi %scan3A_13, %scan3A_14 : i32
    %scan3A_16 = arith.constant 1 : i32
    %scan3A_17 = scf.for %scan3A_115 = %scan3A_13 to %scan3A_15 step %scan3A_16 iter_args(%scan3A_116 = %scan3A_12) -> (i32)  : i32 {
      %dma_start3A_117 = arith.constant 0 : i32
      %dma_start3A_118 = tpu.memref_slice %arg7[%scan3A_115, %dma_start3A_117] : memref<40x128xi32, #tpu.memory_space<vmem>> -> memref<1x128xi32, #tpu.memory_space<vmem>>
      %dma_start3A_119 = tpu.memref_squeeze %dma_start3A_118 : memref<1x128xi32, #tpu.memory_space<vmem>> -> memref<128xi32, #tpu.memory_space<vmem>>
      %dma_start3A_120 = arith.constant 0 : i32
      %dma_start3A_121 = arith.constant 0 : i32
      %dma_start3A_122 = tpu.memref_slice %arg2[%dma_start3A_120, %dma_start3A_121] : memref<10000x128xf32, #tpu.memory_space<hbm>> -> memref<10000x128xf32, #tpu.memory_space<hbm>>
      tpu.enqueue_indirect_dma source(%dma_start3A_122 : memref<10000x128xf32, #tpu.memory_space<hbm>>) target(%arg10 : memref<128x128xf32, #tpu.memory_space<vmem>>) offsets(%dma_start3A_119 : memref<128xi32, #tpu.memory_space<vmem>>) semaphore(%arg12 : memref<!tpu.dma_semaphore, #tpu.memory_space<semaphore_mem>>)
      %dma_wait3A_123 = arith.constant 0 : i32
      %dma_wait3A_124 = tpu.memref_slice %arg7[%scan3A_115, %dma_wait3A_123] : memref<40x128xi32, #tpu.memory_space<vmem>> -> memref<1x128xi32, #tpu.memory_space<vmem>>
      %dma_wait3A_125 = tpu.memref_squeeze %dma_wait3A_124 : memref<1x128xi32, #tpu.memory_space<vmem>> -> memref<128xi32, #tpu.memory_space<vmem>>
      %dma_wait3A_126 = arith.constant 0 : i32
      %dma_wait3A_127 = arith.constant 0 : i32
      %dma_wait3A_128 = tpu.memref_slice %arg2[%dma_wait3A_126, %dma_wait3A_127] : memref<10000x128xf32, #tpu.memory_space<hbm>> -> memref<10000x128xf32, #tpu.memory_space<hbm>>
      tpu.wait_indirect_dma semaphore(%arg12 : memref<!tpu.dma_semaphore, #tpu.memory_space<semaphore_mem>>) src(%dma_wait3A_128 : memref<10000x128xf32, #tpu.memory_space<hbm>>) dst(%arg10 : memref<128x128xf32, #tpu.memory_space<vmem>>)
      "tpu.region"() ({
        %run_scoped3A_130 = tpu.sem_alloc : memref<!tpu.dma_semaphore, #tpu.memory_space<semaphore_mem>>
        %dma_start3A_131 = arith.constant 0 : i32
        %dma_start3A_132 = tpu.memref_slice %arg8[%scan3A_115, %dma_start3A_131] : memref<40x128xi32, #tpu.memory_space<vmem>> -> memref<1x128xi32, #tpu.memory_space<vmem>>
        %dma_start3A_133 = tpu.memref_squeeze %dma_start3A_132 : memref<1x128xi32, #tpu.memory_space<vmem>> -> memref<128xi32, #tpu.memory_space<vmem>>
        %dma_start3A_134 = arith.constant 0 : i32
        %dma_start3A_135 = arith.constant 0 : i32
        %dma_start3A_136 = tpu.memref_slice %arg11[%dma_start3A_134, %dma_start3A_135] : memref<10112x128xf32, #tpu.memory_space<vmem_shared>> -> memref<10112x128xf32, #tpu.memory_space<vmem_shared>>
        tpu.enqueue_indirect_dma source(%arg10 : memref<128x128xf32, #tpu.memory_space<vmem>>) target(%dma_start3A_136 : memref<10112x128xf32, #tpu.memory_space<vmem_shared>>) offsets(%dma_start3A_133 : memref<128xi32, #tpu.memory_space<vmem>>) semaphore(%run_scoped3A_130 : memref<!tpu.dma_semaphore, #tpu.memory_space<semaphore_mem>>) {add = true}
        %dma_wait3A_137 = arith.constant 0 : i32
        %dma_wait3A_138 = tpu.memref_slice %arg8[%scan3A_115, %dma_wait3A_137] : memref<40x128xi32, #tpu.memory_space<vmem>> -> memref<1x128xi32, #tpu.memory_space<vmem>>
        %dma_wait3A_139 = tpu.memref_squeeze %dma_wait3A_138 : memref<1x128xi32, #tpu.memory_space<vmem>> -> memref<128xi32, #tpu.memory_space<vmem>>
        %dma_wait3A_140 = arith.constant 0 : i32
        %dma_wait3A_141 = arith.constant 0 : i32
        %dma_wait3A_142 = tpu.memref_slice %arg11[%dma_wait3A_140, %dma_wait3A_141] : memref<10112x128xf32, #tpu.memory_space<vmem_shared>> -> memref<10112x128xf32, #tpu.memory_space<vmem_shared>>
        tpu.wait_indirect_dma semaphore(%run_scoped3A_130 : memref<!tpu.dma_semaphore, #tpu.memory_space<semaphore_mem>>) src(%arg10 : memref<128x128xf32, #tpu.memory_space<vmem>>) dst(%dma_wait3A_142 : memref<10112x128xf32, #tpu.memory_space<vmem_shared>>)
        tpu.yield
      }) : () -> ()
      %scan3A_129 = arith.constant 0 : i32
      scf.yield %scan3A_129 : i32
    }
    %scan3A_18 = arith.constant 40 : i32
    "tpu.region"() ({
      %run_scoped3A_115 = tpu.sem_alloc : memref<!tpu.dma_semaphore, #tpu.memory_space<semaphore_mem>>
      %dma_start3A_116 = arith.constant 40 : i32
      %dma_start3A_117 = arith.constant 0 : i32
      %dma_start3A_118 = tpu.memref_slice %arg3[%add3A, %dma_start3A_116, %dma_start3A_117] : memref<32x80x128xi32, #tpu.memory_space<hbm>> -> memref<1x40x128xi32, #tpu.memory_space<hbm>>
      %dma_start3A_119 = tpu.memref_squeeze %dma_start3A_118 : memref<1x40x128xi32, #tpu.memory_space<hbm>> -> memref<40x128xi32, #tpu.memory_space<hbm>>
      %dma_start3A_120 = arith.constant 40 : i32
      %dma_start3A_121 = arith.constant 0 : i32
      %dma_start3A_122 = tpu.memref_slice %arg3[%add3A, %dma_start3A_120, %dma_start3A_121] : memref<32x80x128xi32, #tpu.memory_space<hbm>> -> memref<1x40x128xi32, #tpu.memory_space<hbm>>
      %dma_start3A_123 = tpu.memref_squeeze %dma_start3A_122 : memref<1x40x128xi32, #tpu.memory_space<hbm>> -> memref<40x128xi32, #tpu.memory_space<hbm>>
      tpu.enqueue_dma source(%dma_start3A_123 : memref<40x128xi32, #tpu.memory_space<hbm>>) target(%arg7 : memref<40x128xi32, #tpu.memory_space<vmem>>) target_semaphore(%run_scoped3A_115 : memref<!tpu.dma_semaphore, #tpu.memory_space<semaphore_mem>>)
      %dma_wait3A_124 = arith.constant 40 : i32
      %dma_wait3A_125 = arith.constant 0 : i32
      %dma_wait3A_126 = tpu.memref_slice %arg3[%add3A, %dma_wait3A_124, %dma_wait3A_125] : memref<32x80x128xi32, #tpu.memory_space<hbm>> -> memref<1x40x128xi32, #tpu.memory_space<hbm>>
      %dma_wait3A_127 = tpu.memref_squeeze %dma_wait3A_126 : memref<1x40x128xi32, #tpu.memory_space<hbm>> -> memref<40x128xi32, #tpu.memory_space<hbm>>
      %dma_wait3A_128 = arith.constant 40 : i32
      %dma_wait3A_129 = arith.constant 0 : i32
      %dma_wait3A_130 = tpu.memref_slice %arg3[%add3A, %dma_wait3A_128, %dma_wait3A_129] : memref<32x80x128xi32, #tpu.memory_space<hbm>> -> memref<1x40x128xi32, #tpu.memory_space<hbm>>
      %dma_wait3A_131 = tpu.memref_squeeze %dma_wait3A_130 : memref<1x40x128xi32, #tpu.memory_space<hbm>> -> memref<40x128xi32, #tpu.memory_space<hbm>>
      tpu.wait_dma2 semaphore(%run_scoped3A_115 : memref<!tpu.dma_semaphore, #tpu.memory_space<semaphore_mem>>) src(%dma_wait3A_131 : memref<40x128xi32, #tpu.memory_space<hbm>>) dst(%arg7 : memref<40x128xi32, #tpu.memory_space<vmem>>)
      tpu.yield
    }) : () -> ()
    "tpu.region"() ({
      %run_scoped3A_115 = tpu.sem_alloc : memref<!tpu.dma_semaphore, #tpu.memory_space<semaphore_mem>>
      %dma_start3A_116 = arith.constant 40 : i32
      %dma_start3A_117 = arith.constant 0 : i32
      %dma_start3A_118 = tpu.memref_slice %arg4[%add3A, %dma_start3A_116, %dma_start3A_117] : memref<32x80x128xi32, #tpu.memory_space<hbm>> -> memref<1x40x128xi32, #tpu.memory_space<hbm>>
      %dma_start3A_119 = tpu.memref_squeeze %dma_start3A_118 : memref<1x40x128xi32, #tpu.memory_space<hbm>> -> memref<40x128xi32, #tpu.memory_space<hbm>>
      %dma_start3A_120 = arith.constant 40 : i32
      %dma_start3A_121 = arith.constant 0 : i32
      %dma_start3A_122 = tpu.memref_slice %arg4[%add3A, %dma_start3A_120, %dma_start3A_121] : memref<32x80x128xi32, #tpu.memory_space<hbm>> -> memref<1x40x128xi32, #tpu.memory_space<hbm>>
      %dma_start3A_123 = tpu.memref_squeeze %dma_start3A_122 : memref<1x40x128xi32, #tpu.memory_space<hbm>> -> memref<40x128xi32, #tpu.memory_space<hbm>>
      tpu.enqueue_dma source(%dma_start3A_123 : memref<40x128xi32, #tpu.memory_space<hbm>>) target(%arg8 : memref<40x128xi32, #tpu.memory_space<vmem>>) target_semaphore(%run_scoped3A_115 : memref<!tpu.dma_semaphore, #tpu.memory_space<semaphore_mem>>)
      %dma_wait3A_124 = arith.constant 40 : i32
      %dma_wait3A_125 = arith.constant 0 : i32
      %dma_wait3A_126 = tpu.memref_slice %arg4[%add3A, %dma_wait3A_124, %dma_wait3A_125] : memref<32x80x128xi32, #tpu.memory_space<hbm>> -> memref<1x40x128xi32, #tpu.memory_space<hbm>>
      %dma_wait3A_127 = tpu.memref_squeeze %dma_wait3A_126 : memref<1x40x128xi32, #tpu.memory_space<hbm>> -> memref<40x128xi32, #tpu.memory_space<hbm>>
      %dma_wait3A_128 = arith.constant 40 : i32
      %dma_wait3A_129 = arith.constant 0 : i32
      %dma_wait3A_130 = tpu.memref_slice %arg4[%add3A, %dma_wait3A_128, %dma_wait3A_129] : memref<32x80x128xi32, #tpu.memory_space<hbm>> -> memref<1x40x128xi32, #tpu.memory_space<hbm>>
      %dma_wait3A_131 = tpu.memref_squeeze %dma_wait3A_130 : memref<1x40x128xi32, #tpu.memory_space<hbm>> -> memref<40x128xi32, #tpu.memory_space<hbm>>
      tpu.wait_dma2 semaphore(%run_scoped3A_115 : memref<!tpu.dma_semaphore, #tpu.memory_space<semaphore_mem>>) src(%dma_wait3A_131 : memref<40x128xi32, #tpu.memory_space<hbm>>) dst(%arg8 : memref<40x128xi32, #tpu.memory_space<vmem>>)
      tpu.yield
    }) : () -> ()
    %scan3A_19 = arith.constant 0 : i32
    %scan3A_20 = arith.constant 0 : i32
    %scan3A_21 = arith.constant 40 : i32
    %scan3A_22 = arith.addi %scan3A_20, %scan3A_21 : i32
    %scan3A_23 = arith.constant 1 : i32
    %scan3A_24 = scf.for %scan3A_115 = %scan3A_20 to %scan3A_22 step %scan3A_23 iter_args(%scan3A_116 = %scan3A_19) -> (i32)  : i32 {
      %dma_start3A_117 = arith.constant 0 : i32
      %dma_start3A_118 = tpu.memref_slice %arg7[%scan3A_115, %dma_start3A_117] : memref<40x128xi32, #tpu.memory_space<vmem>> -> memref<1x128xi32, #tpu.memory_space<vmem>>
      %dma_start3A_119 = tpu.memref_squeeze %dma_start3A_118 : memref<1x128xi32, #tpu.memory_space<vmem>> -> memref<128xi32, #tpu.memory_space<vmem>>
      %dma_start3A_120 = arith.constant 0 : i32
      %dma_start3A_121 = arith.constant 0 : i32
      %dma_start3A_122 = tpu.memref_slice %arg2[%dma_start3A_120, %dma_start3A_121] : memref<10000x128xf32, #tpu.memory_space<hbm>> -> memref<10000x128xf32, #tpu.memory_space<hbm>>
      tpu.enqueue_indirect_dma source(%dma_start3A_122 : memref<10000x128xf32, #tpu.memory_space<hbm>>) target(%arg10 : memref<128x128xf32, #tpu.memory_space<vmem>>) offsets(%dma_start3A_119 : memref<128xi32, #tpu.memory_space<vmem>>) semaphore(%arg12 : memref<!tpu.dma_semaphore, #tpu.memory_space<semaphore_mem>>)
      %dma_wait3A_123 = arith.constant 0 : i32
      %dma_wait3A_124 = tpu.memref_slice %arg7[%scan3A_115, %dma_wait3A_123] : memref<40x128xi32, #tpu.memory_space<vmem>> -> memref<1x128xi32, #tpu.memory_space<vmem>>
      %dma_wait3A_125 = tpu.memref_squeeze %dma_wait3A_124 : memref<1x128xi32, #tpu.memory_space<vmem>> -> memref<128xi32, #tpu.memory_space<vmem>>
      %dma_wait3A_126 = arith.constant 0 : i32
      %dma_wait3A_127 = arith.constant 0 : i32
      %dma_wait3A_128 = tpu.memref_slice %arg2[%dma_wait3A_126, %dma_wait3A_127] : memref<10000x128xf32, #tpu.memory_space<hbm>> -> memref<10000x128xf32, #tpu.memory_space<hbm>>
      tpu.wait_indirect_dma semaphore(%arg12 : memref<!tpu.dma_semaphore, #tpu.memory_space<semaphore_mem>>) src(%dma_wait3A_128 : memref<10000x128xf32, #tpu.memory_space<hbm>>) dst(%arg10 : memref<128x128xf32, #tpu.memory_space<vmem>>)
      "tpu.region"() ({
        %run_scoped3A_130 = tpu.sem_alloc : memref<!tpu.dma_semaphore, #tpu.memory_space<semaphore_mem>>
        %dma_start3A_131 = arith.constant 0 : i32
        %dma_start3A_132 = tpu.memref_slice %arg8[%scan3A_115, %dma_start3A_131] : memref<40x128xi32, #tpu.memory_space<vmem>> -> memref<1x128xi32, #tpu.memory_space<vmem>>
        %dma_start3A_133 = tpu.memref_squeeze %dma_start3A_132 : memref<1x128xi32, #tpu.memory_space<vmem>> -> memref<128xi32, #tpu.memory_space<vmem>>
        %dma_start3A_134 = arith.constant 0 : i32
        %dma_start3A_135 = arith.constant 0 : i32
        %dma_start3A_136 = tpu.memref_slice %arg11[%dma_start3A_134, %dma_start3A_135] : memref<10112x128xf32, #tpu.memory_space<vmem_shared>> -> memref<10112x128xf32, #tpu.memory_space<vmem_shared>>
        tpu.enqueue_indirect_dma source(%arg10 : memref<128x128xf32, #tpu.memory_space<vmem>>) target(%dma_start3A_136 : memref<10112x128xf32, #tpu.memory_space<vmem_shared>>) offsets(%dma_start3A_133 : memref<128xi32, #tpu.memory_space<vmem>>) semaphore(%run_scoped3A_130 : memref<!tpu.dma_semaphore, #tpu.memory_space<semaphore_mem>>) {add = true}
        %dma_wait3A_137 = arith.constant 0 : i32
        %dma_wait3A_138 = tpu.memref_slice %arg8[%scan3A_115, %dma_wait3A_137] : memref<40x128xi32, #tpu.memory_space<vmem>> -> memref<1x128xi32, #tpu.memory_space<vmem>>
        %dma_wait3A_139 = tpu.memref_squeeze %dma_wait3A_138 : memref<1x128xi32, #tpu.memory_space<vmem>> -> memref<128xi32, #tpu.memory_space<vmem>>
        %dma_wait3A_140 = arith.constant 0 : i32
        %dma_wait3A_141 = arith.constant 0 : i32
        %dma_wait3A_142 = tpu.memref_slice %arg11[%dma_wait3A_140, %dma_wait3A_141] : memref<10112x128xf32, #tpu.memory_space<vmem_shared>> -> memref<10112x128xf32, #tpu.memory_space<vmem_shared>>
        tpu.wait_indirect_dma semaphore(%run_scoped3A_130 : memref<!tpu.dma_semaphore, #tpu.memory_space<semaphore_mem>>) src(%arg10 : memref<128x128xf32, #tpu.memory_space<vmem>>) dst(%dma_wait3A_142 : memref<10112x128xf32, #tpu.memory_space<vmem_shared>>)
        tpu.yield
      }) : () -> ()
      %scan3A_129 = arith.constant 0 : i32
      scf.yield %scan3A_129 : i32
    }
    %scan3A_25 = arith.constant 40 : i32
    %barrier3A_26 = arith.constant 0 : index
    tpu.barrier barrier_id(%barrier3A_26)
    %dma_start3A = arith.constant 0 : i32
    %dma_start3A_27 = arith.constant 0 : i32
    %dma_start3A_28 = tpu.memref_slice %arg9[%dma_start3A, %dma_start3A_27] : memref<5x128xi32, #tpu.memory_space<vmem>> -> memref<1x128xi32, #tpu.memory_space<vmem>>
    %dma_start3A_29 = tpu.memref_squeeze %dma_start3A_28 : memref<1x128xi32, #tpu.memory_space<vmem>> -> memref<128xi32, #tpu.memory_space<vmem>>
    %dma_start3A_30 = arith.constant 0 : i32
    %dma_start3A_31 = arith.constant 0 : i32
    %dma_start3A_32 = tpu.memref_slice %arg11[%dma_start3A_30, %dma_start3A_31] : memref<10112x128xf32, #tpu.memory_space<vmem_shared>> -> memref<10112x128xf32, #tpu.memory_space<vmem_shared>>
    tpu.enqueue_indirect_dma source(%dma_start3A_32 : memref<10112x128xf32, #tpu.memory_space<vmem_shared>>) target(%arg10 : memref<128x128xf32, #tpu.memory_space<vmem>>) offsets(%dma_start3A_29 : memref<128xi32, #tpu.memory_space<vmem>>) semaphore(%arg12 : memref<!tpu.dma_semaphore, #tpu.memory_space<semaphore_mem>>)
    %dma_wait3A = arith.constant 0 : i32
    %dma_wait3A_33 = arith.constant 0 : i32
    %dma_wait3A_34 = tpu.memref_slice %arg9[%dma_wait3A, %dma_wait3A_33] : memref<5x128xi32, #tpu.memory_space<vmem>> -> memref<1x128xi32, #tpu.memory_space<vmem>>
    %dma_wait3A_35 = tpu.memref_squeeze %dma_wait3A_34 : memref<1x128xi32, #tpu.memory_space<vmem>> -> memref<128xi32, #tpu.memory_space<vmem>>
    %dma_wait3A_36 = arith.constant 0 : i32
    %dma_wait3A_37 = arith.constant 0 : i32
    %dma_wait3A_38 = tpu.memref_slice %arg11[%dma_wait3A_36, %dma_wait3A_37] : memref<10112x128xf32, #tpu.memory_space<vmem_shared>> -> memref<10112x128xf32, #tpu.memory_space<vmem_shared>>
    tpu.wait_indirect_dma semaphore(%arg12 : memref<!tpu.dma_semaphore, #tpu.memory_space<semaphore_mem>>) src(%dma_wait3A_38 : memref<10112x128xf32, #tpu.memory_space<vmem_shared>>) dst(%arg10 : memref<128x128xf32, #tpu.memory_space<vmem>>)
    %mul3A_39 = arith.constant 632 : i32
    %mul3A_40 = arith.muli %arg1, %mul3A_39 : i32
    %add3A_41 = arith.constant 0 : i32
    %add3A_42 = arith.addi %mul3A_40, %add3A_41 : i32
    "tpu.region"() ({
      %run_scoped3A_115 = tpu.sem_alloc : memref<!tpu.dma_semaphore, #tpu.memory_space<semaphore_mem>>
      %dma_start3A_116 = arith.constant 0 : i32
      %dma_start3A_117 = tpu.memref_slice %arg6[%arg0, %add3A_42, %dma_start3A_116] : memref<2x10112x128xf32, #tpu.memory_space<hbm>> -> memref<1x128x128xf32, #tpu.memory_space<hbm>>
      %dma_start3A_118 = tpu.memref_squeeze %dma_start3A_117 : memref<1x128x128xf32, #tpu.memory_space<hbm>> -> memref<128x128xf32, #tpu.memory_space<hbm>>
      %dma_start3A_119 = arith.constant 0 : i32
      %dma_start3A_120 = tpu.memref_slice %arg6[%arg0, %add3A_42, %dma_start3A_119] : memref<2x10112x128xf32, #tpu.memory_space<hbm>> -> memref<1x128x128xf32, #tpu.memory_space<hbm>>
      %dma_start3A_121 = tpu.memref_squeeze %dma_start3A_120 : memref<1x128x128xf32, #tpu.memory_space<hbm>> -> memref<128x128xf32, #tpu.memory_space<hbm>>
      tpu.enqueue_dma source(%arg10 : memref<128x128xf32, #tpu.memory_space<vmem>>) target(%dma_start3A_121 : memref<128x128xf32, #tpu.memory_space<hbm>>) target_semaphore(%run_scoped3A_115 : memref<!tpu.dma_semaphore, #tpu.memory_space<semaphore_mem>>)
      %dma_wait3A_122 = arith.constant 0 : i32
      %dma_wait3A_123 = tpu.memref_slice %arg6[%arg0, %add3A_42, %dma_wait3A_122] : memref<2x10112x128xf32, #tpu.memory_space<hbm>> -> memref<1x128x128xf32, #tpu.memory_space<hbm>>
      %dma_wait3A_124 = tpu.memref_squeeze %dma_wait3A_123 : memref<1x128x128xf32, #tpu.memory_space<hbm>> -> memref<128x128xf32, #tpu.memory_space<hbm>>
      %dma_wait3A_125 = arith.constant 0 : i32
      %dma_wait3A_126 = tpu.memref_slice %arg6[%arg0, %add3A_42, %dma_wait3A_125] : memref<2x10112x128xf32, #tpu.memory_space<hbm>> -> memref<1x128x128xf32, #tpu.memory_space<hbm>>
      %dma_wait3A_127 = tpu.memref_squeeze %dma_wait3A_126 : memref<1x128x128xf32, #tpu.memory_space<hbm>> -> memref<128x128xf32, #tpu.memory_space<hbm>>
      tpu.wait_dma2 semaphore(%run_scoped3A_115 : memref<!tpu.dma_semaphore, #tpu.memory_space<semaphore_mem>>) src(%arg10 : memref<128x128xf32, #tpu.memory_space<vmem>>) dst(%dma_wait3A_127 : memref<128x128xf32, #tpu.memory_space<hbm>>)
      tpu.yield
    }) : () -> ()
    %dma_start3A_43 = arith.constant 1 : i32
    %dma_start3A_44 = arith.constant 0 : i32
    %dma_start3A_45 = tpu.memref_slice %arg9[%dma_start3A_43, %dma_start3A_44] : memref<5x128xi32, #tpu.memory_space<vmem>> -> memref<1x128xi32, #tpu.memory_space<vmem>>
    %dma_start3A_46 = tpu.memref_squeeze %dma_start3A_45 : memref<1x128xi32, #tpu.memory_space<vmem>> -> memref<128xi32, #tpu.memory_space<vmem>>
    %dma_start3A_47 = arith.constant 0 : i32
    %dma_start3A_48 = arith.constant 0 : i32
    %dma_start3A_49 = tpu.memref_slice %arg11[%dma_start3A_47, %dma_start3A_48] : memref<10112x128xf32, #tpu.memory_space<vmem_shared>> -> memref<10112x128xf32, #tpu.memory_space<vmem_shared>>
    tpu.enqueue_indirect_dma source(%dma_start3A_49 : memref<10112x128xf32, #tpu.memory_space<vmem_shared>>) target(%arg10 : memref<128x128xf32, #tpu.memory_space<vmem>>) offsets(%dma_start3A_46 : memref<128xi32, #tpu.memory_space<vmem>>) semaphore(%arg12 : memref<!tpu.dma_semaphore, #tpu.memory_space<semaphore_mem>>)
    %dma_wait3A_50 = arith.constant 1 : i32
    %dma_wait3A_51 = arith.constant 0 : i32
    %dma_wait3A_52 = tpu.memref_slice %arg9[%dma_wait3A_50, %dma_wait3A_51] : memref<5x128xi32, #tpu.memory_space<vmem>> -> memref<1x128xi32, #tpu.memory_space<vmem>>
    %dma_wait3A_53 = tpu.memref_squeeze %dma_wait3A_52 : memref<1x128xi32, #tpu.memory_space<vmem>> -> memref<128xi32, #tpu.memory_space<vmem>>
    %dma_wait3A_54 = arith.constant 0 : i32
    %dma_wait3A_55 = arith.constant 0 : i32
    %dma_wait3A_56 = tpu.memref_slice %arg11[%dma_wait3A_54, %dma_wait3A_55] : memref<10112x128xf32, #tpu.memory_space<vmem_shared>> -> memref<10112x128xf32, #tpu.memory_space<vmem_shared>>
    tpu.wait_indirect_dma semaphore(%arg12 : memref<!tpu.dma_semaphore, #tpu.memory_space<semaphore_mem>>) src(%dma_wait3A_56 : memref<10112x128xf32, #tpu.memory_space<vmem_shared>>) dst(%arg10 : memref<128x128xf32, #tpu.memory_space<vmem>>)
    %mul3A_57 = arith.constant 632 : i32
    %mul3A_58 = arith.muli %arg1, %mul3A_57 : i32
    %add3A_59 = arith.constant 128 : i32
    %add3A_60 = arith.addi %mul3A_58, %add3A_59 : i32
    "tpu.region"() ({
      %run_scoped3A_115 = tpu.sem_alloc : memref<!tpu.dma_semaphore, #tpu.memory_space<semaphore_mem>>
      %dma_start3A_116 = arith.constant 0 : i32
      %dma_start3A_117 = tpu.memref_slice %arg6[%arg0, %add3A_60, %dma_start3A_116] : memref<2x10112x128xf32, #tpu.memory_space<hbm>> -> memref<1x128x128xf32, #tpu.memory_space<hbm>>
      %dma_start3A_118 = tpu.memref_squeeze %dma_start3A_117 : memref<1x128x128xf32, #tpu.memory_space<hbm>> -> memref<128x128xf32, #tpu.memory_space<hbm>>
      %dma_start3A_119 = arith.constant 0 : i32
      %dma_start3A_120 = tpu.memref_slice %arg6[%arg0, %add3A_60, %dma_start3A_119] : memref<2x10112x128xf32, #tpu.memory_space<hbm>> -> memref<1x128x128xf32, #tpu.memory_space<hbm>>
      %dma_start3A_121 = tpu.memref_squeeze %dma_start3A_120 : memref<1x128x128xf32, #tpu.memory_space<hbm>> -> memref<128x128xf32, #tpu.memory_space<hbm>>
      tpu.enqueue_dma source(%arg10 : memref<128x128xf32, #tpu.memory_space<vmem>>) target(%dma_start3A_121 : memref<128x128xf32, #tpu.memory_space<hbm>>) target_semaphore(%run_scoped3A_115 : memref<!tpu.dma_semaphore, #tpu.memory_space<semaphore_mem>>)
      %dma_wait3A_122 = arith.constant 0 : i32
      %dma_wait3A_123 = tpu.memref_slice %arg6[%arg0, %add3A_60, %dma_wait3A_122] : memref<2x10112x128xf32, #tpu.memory_space<hbm>> -> memref<1x128x128xf32, #tpu.memory_space<hbm>>
      %dma_wait3A_124 = tpu.memref_squeeze %dma_wait3A_123 : memref<1x128x128xf32, #tpu.memory_space<hbm>> -> memref<128x128xf32, #tpu.memory_space<hbm>>
      %dma_wait3A_125 = arith.constant 0 : i32
      %dma_wait3A_126 = tpu.memref_slice %arg6[%arg0, %add3A_60, %dma_wait3A_125] : memref<2x10112x128xf32, #tpu.memory_space<hbm>> -> memref<1x128x128xf32, #tpu.memory_space<hbm>>
      %dma_wait3A_127 = tpu.memref_squeeze %dma_wait3A_126 : memref<1x128x128xf32, #tpu.memory_space<hbm>> -> memref<128x128xf32, #tpu.memory_space<hbm>>
      tpu.wait_dma2 semaphore(%run_scoped3A_115 : memref<!tpu.dma_semaphore, #tpu.memory_space<semaphore_mem>>) src(%arg10 : memref<128x128xf32, #tpu.memory_space<vmem>>) dst(%dma_wait3A_127 : memref<128x128xf32, #tpu.memory_space<hbm>>)
      tpu.yield
    }) : () -> ()
    %dma_start3A_61 = arith.constant 2 : i32
    %dma_start3A_62 = arith.constant 0 : i32
    %dma_start3A_63 = tpu.memref_slice %arg9[%dma_start3A_61, %dma_start3A_62] : memref<5x128xi32, #tpu.memory_space<vmem>> -> memref<1x128xi32, #tpu.memory_space<vmem>>
    %dma_start3A_64 = tpu.memref_squeeze %dma_start3A_63 : memref<1x128xi32, #tpu.memory_space<vmem>> -> memref<128xi32, #tpu.memory_space<vmem>>
    %dma_start3A_65 = arith.constant 0 : i32
    %dma_start3A_66 = arith.constant 0 : i32
    %dma_start3A_67 = tpu.memref_slice %arg11[%dma_start3A_65, %dma_start3A_66] : memref<10112x128xf32, #tpu.memory_space<vmem_shared>> -> memref<10112x128xf32, #tpu.memory_space<vmem_shared>>
    tpu.enqueue_indirect_dma source(%dma_start3A_67 : memref<10112x128xf32, #tpu.memory_space<vmem_shared>>) target(%arg10 : memref<128x128xf32, #tpu.memory_space<vmem>>) offsets(%dma_start3A_64 : memref<128xi32, #tpu.memory_space<vmem>>) semaphore(%arg12 : memref<!tpu.dma_semaphore, #tpu.memory_space<semaphore_mem>>)
    %dma_wait3A_68 = arith.constant 2 : i32
    %dma_wait3A_69 = arith.constant 0 : i32
    %dma_wait3A_70 = tpu.memref_slice %arg9[%dma_wait3A_68, %dma_wait3A_69] : memref<5x128xi32, #tpu.memory_space<vmem>> -> memref<1x128xi32, #tpu.memory_space<vmem>>
    %dma_wait3A_71 = tpu.memref_squeeze %dma_wait3A_70 : memref<1x128xi32, #tpu.memory_space<vmem>> -> memref<128xi32, #tpu.memory_space<vmem>>
    %dma_wait3A_72 = arith.constant 0 : i32
    %dma_wait3A_73 = arith.constant 0 : i32
    %dma_wait3A_74 = tpu.memref_slice %arg11[%dma_wait3A_72, %dma_wait3A_73] : memref<10112x128xf32, #tpu.memory_space<vmem_shared>> -> memref<10112x128xf32, #tpu.memory_space<vmem_shared>>
    tpu.wait_indirect_dma semaphore(%arg12 : memref<!tpu.dma_semaphore, #tpu.memory_space<semaphore_mem>>) src(%dma_wait3A_74 : memref<10112x128xf32, #tpu.memory_space<vmem_shared>>) dst(%arg10 : memref<128x128xf32, #tpu.memory_space<vmem>>)
    %mul3A_75 = arith.constant 632 : i32
    %mul3A_76 = arith.muli %arg1, %mul3A_75 : i32
    %add3A_77 = arith.constant 256 : i32
    %add3A_78 = arith.addi %mul3A_76, %add3A_77 : i32
    "tpu.region"() ({
      %run_scoped3A_115 = tpu.sem_alloc : memref<!tpu.dma_semaphore, #tpu.memory_space<semaphore_mem>>
      %dma_start3A_116 = arith.constant 0 : i32
      %dma_start3A_117 = tpu.memref_slice %arg6[%arg0, %add3A_78, %dma_start3A_116] : memref<2x10112x128xf32, #tpu.memory_space<hbm>> -> memref<1x128x128xf32, #tpu.memory_space<hbm>>
      %dma_start3A_118 = tpu.memref_squeeze %dma_start3A_117 : memref<1x128x128xf32, #tpu.memory_space<hbm>> -> memref<128x128xf32, #tpu.memory_space<hbm>>
      %dma_start3A_119 = arith.constant 0 : i32
      %dma_start3A_120 = tpu.memref_slice %arg6[%arg0, %add3A_78, %dma_start3A_119] : memref<2x10112x128xf32, #tpu.memory_space<hbm>> -> memref<1x128x128xf32, #tpu.memory_space<hbm>>
      %dma_start3A_121 = tpu.memref_squeeze %dma_start3A_120 : memref<1x128x128xf32, #tpu.memory_space<hbm>> -> memref<128x128xf32, #tpu.memory_space<hbm>>
      tpu.enqueue_dma source(%arg10 : memref<128x128xf32, #tpu.memory_space<vmem>>) target(%dma_start3A_121 : memref<128x128xf32, #tpu.memory_space<hbm>>) target_semaphore(%run_scoped3A_115 : memref<!tpu.dma_semaphore, #tpu.memory_space<semaphore_mem>>)
      %dma_wait3A_122 = arith.constant 0 : i32
      %dma_wait3A_123 = tpu.memref_slice %arg6[%arg0, %add3A_78, %dma_wait3A_122] : memref<2x10112x128xf32, #tpu.memory_space<hbm>> -> memref<1x128x128xf32, #tpu.memory_space<hbm>>
      %dma_wait3A_124 = tpu.memref_squeeze %dma_wait3A_123 : memref<1x128x128xf32, #tpu.memory_space<hbm>> -> memref<128x128xf32, #tpu.memory_space<hbm>>
      %dma_wait3A_125 = arith.constant 0 : i32
      %dma_wait3A_126 = tpu.memref_slice %arg6[%arg0, %add3A_78, %dma_wait3A_125] : memref<2x10112x128xf32, #tpu.memory_space<hbm>> -> memref<1x128x128xf32, #tpu.memory_space<hbm>>
      %dma_wait3A_127 = tpu.memref_squeeze %dma_wait3A_126 : memref<1x128x128xf32, #tpu.memory_space<hbm>> -> memref<128x128xf32, #tpu.memory_space<hbm>>
      tpu.wait_dma2 semaphore(%run_scoped3A_115 : memref<!tpu.dma_semaphore, #tpu.memory_space<semaphore_mem>>) src(%arg10 : memref<128x128xf32, #tpu.memory_space<vmem>>) dst(%dma_wait3A_127 : memref<128x128xf32, #tpu.memory_space<hbm>>)
      tpu.yield
    }) : () -> ()
    %dma_start3A_79 = arith.constant 3 : i32
    %dma_start3A_80 = arith.constant 0 : i32
    %dma_start3A_81 = tpu.memref_slice %arg9[%dma_start3A_79, %dma_start3A_80] : memref<5x128xi32, #tpu.memory_space<vmem>> -> memref<1x128xi32, #tpu.memory_space<vmem>>
    %dma_start3A_82 = tpu.memref_squeeze %dma_start3A_81 : memref<1x128xi32, #tpu.memory_space<vmem>> -> memref<128xi32, #tpu.memory_space<vmem>>
    %dma_start3A_83 = arith.constant 0 : i32
    %dma_start3A_84 = arith.constant 0 : i32
    %dma_start3A_85 = tpu.memref_slice %arg11[%dma_start3A_83, %dma_start3A_84] : memref<10112x128xf32, #tpu.memory_space<vmem_shared>> -> memref<10112x128xf32, #tpu.memory_space<vmem_shared>>
    tpu.enqueue_indirect_dma source(%dma_start3A_85 : memref<10112x128xf32, #tpu.memory_space<vmem_shared>>) target(%arg10 : memref<128x128xf32, #tpu.memory_space<vmem>>) offsets(%dma_start3A_82 : memref<128xi32, #tpu.memory_space<vmem>>) semaphore(%arg12 : memref<!tpu.dma_semaphore, #tpu.memory_space<semaphore_mem>>)
    %dma_wait3A_86 = arith.constant 3 : i32
    %dma_wait3A_87 = arith.constant 0 : i32
    %dma_wait3A_88 = tpu.memref_slice %arg9[%dma_wait3A_86, %dma_wait3A_87] : memref<5x128xi32, #tpu.memory_space<vmem>> -> memref<1x128xi32, #tpu.memory_space<vmem>>
    %dma_wait3A_89 = tpu.memref_squeeze %dma_wait3A_88 : memref<1x128xi32, #tpu.memory_space<vmem>> -> memref<128xi32, #tpu.memory_space<vmem>>
    %dma_wait3A_90 = arith.constant 0 : i32
    %dma_wait3A_91 = arith.constant 0 : i32
    %dma_wait3A_92 = tpu.memref_slice %arg11[%dma_wait3A_90, %dma_wait3A_91] : memref<10112x128xf32, #tpu.memory_space<vmem_shared>> -> memref<10112x128xf32, #tpu.memory_space<vmem_shared>>
    tpu.wait_indirect_dma semaphore(%arg12 : memref<!tpu.dma_semaphore, #tpu.memory_space<semaphore_mem>>) src(%dma_wait3A_92 : memref<10112x128xf32, #tpu.memory_space<vmem_shared>>) dst(%arg10 : memref<128x128xf32, #tpu.memory_space<vmem>>)
    %mul3A_93 = arith.constant 632 : i32
    %mul3A_94 = arith.muli %arg1, %mul3A_93 : i32
    %add3A_95 = arith.constant 384 : i32
    %add3A_96 = arith.addi %mul3A_94, %add3A_95 : i32
    "tpu.region"() ({
      %run_scoped3A_115 = tpu.sem_alloc : memref<!tpu.dma_semaphore, #tpu.memory_space<semaphore_mem>>
      %dma_start3A_116 = arith.constant 0 : i32
      %dma_start3A_117 = tpu.memref_slice %arg6[%arg0, %add3A_96, %dma_start3A_116] : memref<2x10112x128xf32, #tpu.memory_space<hbm>> -> memref<1x128x128xf32, #tpu.memory_space<hbm>>
      %dma_start3A_118 = tpu.memref_squeeze %dma_start3A_117 : memref<1x128x128xf32, #tpu.memory_space<hbm>> -> memref<128x128xf32, #tpu.memory_space<hbm>>
      %dma_start3A_119 = arith.constant 0 : i32
      %dma_start3A_120 = tpu.memref_slice %arg6[%arg0, %add3A_96, %dma_start3A_119] : memref<2x10112x128xf32, #tpu.memory_space<hbm>> -> memref<1x128x128xf32, #tpu.memory_space<hbm>>
      %dma_start3A_121 = tpu.memref_squeeze %dma_start3A_120 : memref<1x128x128xf32, #tpu.memory_space<hbm>> -> memref<128x128xf32, #tpu.memory_space<hbm>>
      tpu.enqueue_dma source(%arg10 : memref<128x128xf32, #tpu.memory_space<vmem>>) target(%dma_start3A_121 : memref<128x128xf32, #tpu.memory_space<hbm>>) target_semaphore(%run_scoped3A_115 : memref<!tpu.dma_semaphore, #tpu.memory_space<semaphore_mem>>)
      %dma_wait3A_122 = arith.constant 0 : i32
      %dma_wait3A_123 = tpu.memref_slice %arg6[%arg0, %add3A_96, %dma_wait3A_122] : memref<2x10112x128xf32, #tpu.memory_space<hbm>> -> memref<1x128x128xf32, #tpu.memory_space<hbm>>
      %dma_wait3A_124 = tpu.memref_squeeze %dma_wait3A_123 : memref<1x128x128xf32, #tpu.memory_space<hbm>> -> memref<128x128xf32, #tpu.memory_space<hbm>>
      %dma_wait3A_125 = arith.constant 0 : i32
      %dma_wait3A_126 = tpu.memref_slice %arg6[%arg0, %add3A_96, %dma_wait3A_125] : memref<2x10112x128xf32, #tpu.memory_space<hbm>> -> memref<1x128x128xf32, #tpu.memory_space<hbm>>
      %dma_wait3A_127 = tpu.memref_squeeze %dma_wait3A_126 : memref<1x128x128xf32, #tpu.memory_space<hbm>> -> memref<128x128xf32, #tpu.memory_space<hbm>>
      tpu.wait_dma2 semaphore(%run_scoped3A_115 : memref<!tpu.dma_semaphore, #tpu.memory_space<semaphore_mem>>) src(%arg10 : memref<128x128xf32, #tpu.memory_space<vmem>>) dst(%dma_wait3A_127 : memref<128x128xf32, #tpu.memory_space<hbm>>)
      tpu.yield
    }) : () -> ()
    %dma_start3A_97 = arith.constant 4 : i32
    %dma_start3A_98 = arith.constant 0 : i32
    %dma_start3A_99 = tpu.memref_slice %arg9[%dma_start3A_97, %dma_start3A_98] : memref<5x128xi32, #tpu.memory_space<vmem>> -> memref<1x128xi32, #tpu.memory_space<vmem>>
    %dma_start3A_100 = tpu.memref_squeeze %dma_start3A_99 : memref<1x128xi32, #tpu.memory_space<vmem>> -> memref<128xi32, #tpu.memory_space<vmem>>
    %dma_start3A_101 = arith.constant 0 : i32
    %dma_start3A_102 = arith.constant 0 : i32
    %dma_start3A_103 = tpu.memref_slice %arg11[%dma_start3A_101, %dma_start3A_102] : memref<10112x128xf32, #tpu.memory_space<vmem_shared>> -> memref<10112x128xf32, #tpu.memory_space<vmem_shared>>
    tpu.enqueue_indirect_dma source(%dma_start3A_103 : memref<10112x128xf32, #tpu.memory_space<vmem_shared>>) target(%arg10 : memref<128x128xf32, #tpu.memory_space<vmem>>) offsets(%dma_start3A_100 : memref<128xi32, #tpu.memory_space<vmem>>) semaphore(%arg12 : memref<!tpu.dma_semaphore, #tpu.memory_space<semaphore_mem>>)
    %dma_wait3A_104 = arith.constant 4 : i32
    %dma_wait3A_105 = arith.constant 0 : i32
    %dma_wait3A_106 = tpu.memref_slice %arg9[%dma_wait3A_104, %dma_wait3A_105] : memref<5x128xi32, #tpu.memory_space<vmem>> -> memref<1x128xi32, #tpu.memory_space<vmem>>
    %dma_wait3A_107 = tpu.memref_squeeze %dma_wait3A_106 : memref<1x128xi32, #tpu.memory_space<vmem>> -> memref<128xi32, #tpu.memory_space<vmem>>
    %dma_wait3A_108 = arith.constant 0 : i32
    %dma_wait3A_109 = arith.constant 0 : i32
    %dma_wait3A_110 = tpu.memref_slice %arg11[%dma_wait3A_108, %dma_wait3A_109] : memref<10112x128xf32, #tpu.memory_space<vmem_shared>> -> memref<10112x128xf32, #tpu.memory_space<vmem_shared>>
    tpu.wait_indirect_dma semaphore(%arg12 : memref<!tpu.dma_semaphore, #tpu.memory_space<semaphore_mem>>) src(%dma_wait3A_110 : memref<10112x128xf32, #tpu.memory_space<vmem_shared>>) dst(%arg10 : memref<128x128xf32, #tpu.memory_space<vmem>>)
    %mul3A_111 = arith.constant 632 : i32
    %mul3A_112 = arith.muli %arg1, %mul3A_111 : i32
    %add3A_113 = arith.constant 504 : i32
    %add3A_114 = arith.addi %mul3A_112, %add3A_113 : i32
    "tpu.region"() ({
      %run_scoped3A_115 = tpu.sem_alloc : memref<!tpu.dma_semaphore, #tpu.memory_space<semaphore_mem>>
      %dma_start3A_116 = arith.constant 0 : i32
      %dma_start3A_117 = tpu.memref_slice %arg6[%arg0, %add3A_114, %dma_start3A_116] : memref<2x10112x128xf32, #tpu.memory_space<hbm>> -> memref<1x128x128xf32, #tpu.memory_space<hbm>>
      %dma_start3A_118 = tpu.memref_squeeze %dma_start3A_117 : memref<1x128x128xf32, #tpu.memory_space<hbm>> -> memref<128x128xf32, #tpu.memory_space<hbm>>
      %dma_start3A_119 = arith.constant 0 : i32
      %dma_start3A_120 = tpu.memref_slice %arg6[%arg0, %add3A_114, %dma_start3A_119] : memref<2x10112x128xf32, #tpu.memory_space<hbm>> -> memref<1x128x128xf32, #tpu.memory_space<hbm>>
      %dma_start3A_121 = tpu.memref_squeeze %dma_start3A_120 : memref<1x128x128xf32, #tpu.memory_space<hbm>> -> memref<128x128xf32, #tpu.memory_space<hbm>>
      tpu.enqueue_dma source(%arg10 : memref<128x128xf32, #tpu.memory_space<vmem>>) target(%dma_start3A_121 : memref<128x128xf32, #tpu.memory_space<hbm>>) target_semaphore(%run_scoped3A_115 : memref<!tpu.dma_semaphore, #tpu.memory_space<semaphore_mem>>)
      %dma_wait3A_122 = arith.constant 0 : i32
      %dma_wait3A_123 = tpu.memref_slice %arg6[%arg0, %add3A_114, %dma_wait3A_122] : memref<2x10112x128xf32, #tpu.memory_space<hbm>> -> memref<1x128x128xf32, #tpu.memory_space<hbm>>
      %dma_wait3A_124 = tpu.memref_squeeze %dma_wait3A_123 : memref<1x128x128xf32, #tpu.memory_space<hbm>> -> memref<128x128xf32, #tpu.memory_space<hbm>>
      %dma_wait3A_125 = arith.constant 0 : i32
      %dma_wait3A_126 = tpu.memref_slice %arg6[%arg0, %add3A_114, %dma_wait3A_125] : memref<2x10112x128xf32, #tpu.memory_space<hbm>> -> memref<1x128x128xf32, #tpu.memory_space<hbm>>
      %dma_wait3A_127 = tpu.memref_squeeze %dma_wait3A_126 : memref<1x128x128xf32, #tpu.memory_space<hbm>> -> memref<128x128xf32, #tpu.memory_space<hbm>>
      tpu.wait_dma2 semaphore(%run_scoped3A_115 : memref<!tpu.dma_semaphore, #tpu.memory_space<semaphore_mem>>) src(%arg10 : memref<128x128xf32, #tpu.memory_space<vmem>>) dst(%dma_wait3A_127 : memref<128x128xf32, #tpu.memory_space<hbm>>)
      tpu.yield
    }) : () -> ()
    return
  }
}

module attributes {stable_mosaic.version = 14 : i64} {
  func.func @body(%arg0: memref<10000x128xf32, #tpu.memory_space<vmem>>, %arg1: memref<128x128xf32, #tpu.memory_space<vmem>>, %arg2: memref<2x10000x16xf32, #tpu.memory_space<vmem>>, %arg3: memref<10000x128xf32, #tpu.memory_space<vmem>>) attributes {dimension_semantics = [], scalar_prefetch = 0 : i64, scratch_operands = 0 : i64, tpu.core_type = #tpu.core_type<tc>} {
    %get3A = arith.constant 0 : index
    %get3A_0 = arith.constant 0 : index
    %get3A_1 = arith.constant 0 : index
    %get3A_2 = vector.load %arg2[%get3A, %get3A_0, %get3A_1] : memref<2x10000x16xf32, #tpu.memory_space<vmem>>, vector<1x10000x1xf32>
    %get3A_3 = vector.shape_cast %get3A_2 : vector<1x10000x1xf32> to vector<10000x1xf32>
    %get3A_4 = arith.constant 1 : index
    %get3A_5 = arith.constant 0 : index
    %get3A_6 = arith.constant 0 : index
    %get3A_7 = vector.load %arg2[%get3A_4, %get3A_5, %get3A_6] : memref<2x10000x16xf32, #tpu.memory_space<vmem>>, vector<1x10000x1xf32>
    %get3A_8 = vector.shape_cast %get3A_7 : vector<1x10000x1xf32> to vector<10000x1xf32>
    %add3A = arith.addf %get3A_3, %get3A_8 : vector<10000x1xf32>
    %add3A_9 = arith.constant 1.000000e+00 : f32
    %add3A_10 = vector.broadcast %add3A_9 : f32 to vector<10000x1xf32>
    %add3A_11 = arith.addf %add3A, %add3A_10 : vector<10000x1xf32>
    %rsqrt3A = math.rsqrt %add3A_11 : vector<10000x1xf32>
    %get3A_12 = arith.constant 0 : index
    %get3A_13 = arith.constant 0 : index
    %get3A_14 = vector.load %arg0[%get3A_12, %get3A_13] : memref<10000x128xf32, #tpu.memory_space<vmem>>, vector<10000x128xf32>
    %get3A_15 = arith.constant 0 : index
    %get3A_16 = arith.constant 0 : index
    %get3A_17 = vector.load %arg1[%get3A_15, %get3A_16] : memref<128x128xf32, #tpu.memory_space<vmem>>, vector<128x128xf32>
    %dot_general3A = arith.constant dense<0.000000e+00> : vector<10000x128xf32>
    %dot_general3A_18 = tpu.matmul %get3A_14, %get3A_17, %dot_general3A {dimension_numbers = #tpu.dot_dimension_numbers<[1], [0], [0], [1], [0, 0, 1, 1], [], []>, transpose_lhs_hint = false} : vector<10000x128xf32>, vector<128x128xf32>, vector<10000x128xf32> -> vector<10000x128xf32>
    %mul3A = vector.broadcast %rsqrt3A : vector<10000x1xf32> to vector<10000x128xf32>
    %mul3A_19 = arith.mulf %dot_general3A_18, %mul3A : vector<10000x128xf32>
    %swap3A = arith.constant 0 : index
    %swap3A_20 = arith.constant 0 : index
    %swap3A_21 = vector.load %arg3[%swap3A, %swap3A_20] : memref<10000x128xf32, #tpu.memory_space<vmem>>, vector<10000x128xf32>
    tpu.vector_store %arg3[%swap3A, %swap3A_20], %mul3A_19 {strides = array<i32>} : memref<10000x128xf32, #tpu.memory_space<vmem>>, vector<10000x128xf32>,
    return
  }
}

module attributes {stable_mosaic.version = 14 : i64} {
  func.func @body(%arg0: memref<2x10000x128xf32, #tpu.memory_space<vmem>>, %arg1: memref<10000x128xf32, #tpu.memory_space<vmem>>, %arg2: memref<2x10000x16xf32, #tpu.memory_space<vmem>>, %arg3: memref<1x10000xi32, #tpu.memory_space<vmem>>, %arg4: memref<1x128xf32, #tpu.memory_space<vmem>>, %arg5: memref<128x64xf32, #tpu.memory_space<vmem>>, %arg6: memref<1x64xf32, #tpu.memory_space<vmem>>, %arg7: memref<64x16xf32, #tpu.memory_space<vmem>>, %arg8: memref<1x16xf32, #tpu.memory_space<vmem>>, %arg9: memref<64x1xf32, #tpu.memory_space<vmem>>, %arg10: memref<1x1xf32, #tpu.memory_space<vmem>>, %arg11: memref<64x16xf32, #tpu.memory_space<vmem>>, %arg12: memref<64x1xf32, #tpu.memory_space<vmem>>) attributes {dimension_semantics = [], scalar_prefetch = 0 : i64, scratch_operands = 0 : i64, tpu.core_type = #tpu.core_type<tc>} {
    %get3A = arith.constant 0 : index
    %get3A_0 = arith.constant 0 : index
    %get3A_1 = arith.constant 0 : index
    %get3A_2 = vector.load %arg2[%get3A, %get3A_0, %get3A_1] : memref<2x10000x16xf32, #tpu.memory_space<vmem>>, vector<1x10000x1xf32>
    %get3A_3 = vector.shape_cast %get3A_2 : vector<1x10000x1xf32> to vector<10000x1xf32>
    %get3A_4 = arith.constant 1 : index
    %get3A_5 = arith.constant 0 : index
    %get3A_6 = arith.constant 0 : index
    %get3A_7 = vector.load %arg2[%get3A_4, %get3A_5, %get3A_6] : memref<2x10000x16xf32, #tpu.memory_space<vmem>>, vector<1x10000x1xf32>
    %get3A_8 = vector.shape_cast %get3A_7 : vector<1x10000x1xf32> to vector<10000x1xf32>
    %add3A = arith.addf %get3A_3, %get3A_8 : vector<10000x1xf32>
    %add3A_9 = arith.constant 1.000000e+00 : f32
    %add3A_10 = vector.broadcast %add3A_9 : f32 to vector<10000x1xf32>
    %add3A_11 = arith.addf %add3A, %add3A_10 : vector<10000x1xf32>
    %rsqrt3A = math.rsqrt %add3A_11 : vector<10000x1xf32>
    %get3A_12 = arith.constant 0 : index
    %get3A_13 = arith.constant 0 : index
    %get3A_14 = arith.constant 0 : index
    %get3A_15 = vector.load %arg0[%get3A_12, %get3A_13, %get3A_14] : memref<2x10000x128xf32, #tpu.memory_space<vmem>>, vector<1x10000x128xf32>
    %get3A_16 = vector.shape_cast %get3A_15 : vector<1x10000x128xf32> to vector<10000x128xf32>
    %get3A_17 = arith.constant 1 : index
    %get3A_18 = arith.constant 0 : index
    %get3A_19 = arith.constant 0 : index
    %get3A_20 = vector.load %arg0[%get3A_17, %get3A_18, %get3A_19] : memref<2x10000x128xf32, #tpu.memory_space<vmem>>, vector<1x10000x128xf32>
    %get3A_21 = vector.shape_cast %get3A_20 : vector<1x10000x128xf32> to vector<10000x128xf32>
    %add3A_22 = arith.addf %get3A_16, %get3A_21 : vector<10000x128xf32>
    %get3A_23 = arith.constant 0 : index
    %get3A_24 = arith.constant 0 : index
    %get3A_25 = vector.load %arg1[%get3A_23, %get3A_24] : memref<10000x128xf32, #tpu.memory_space<vmem>>, vector<10000x128xf32>
    %add3A_26 = arith.addf %add3A_22, %get3A_25 : vector<10000x128xf32>
    %mul3A = vector.broadcast %rsqrt3A : vector<10000x1xf32> to vector<10000x128xf32>
    %mul3A_27 = arith.mulf %add3A_26, %mul3A : vector<10000x128xf32>
    %get3A_28 = arith.constant 0 : index
    %get3A_29 = arith.constant 0 : index
    %get3A_30 = vector.load %arg4[%get3A_28, %get3A_29] : memref<1x128xf32, #tpu.memory_space<vmem>>, vector<1x128xf32>
    %add3A_31 = vector.broadcast %get3A_30 : vector<1x128xf32> to vector<10000x128xf32>
    %add3A_32 = arith.addf %mul3A_27, %add3A_31 : vector<10000x128xf32>
    %max3A = arith.constant 0.000000e+00 : f32
    %max3A_33 = vector.broadcast %max3A : f32 to vector<10000x128xf32>
    %max3A_34 = arith.maximumf %add3A_32, %max3A_33 : vector<10000x128xf32>
    %get3A_35 = arith.constant 0 : index
    %get3A_36 = arith.constant 0 : index
    %get3A_37 = vector.load %arg3[%get3A_35, %get3A_36] : memref<1x10000xi32, #tpu.memory_space<vmem>>, vector<1x10000xi32>
    %iota3A = tpu.iota {dimensions = array<i32: 0>} : vector<64x1xi32>
    %eq3A = vector.broadcast %get3A_37 : vector<1x10000xi32> to vector<64x10000xi32>
    %eq3A_38 = vector.broadcast %iota3A : vector<64x1xi32> to vector<64x10000xi32>
    %eq3A_39 = arith.cmpi eq, %eq3A, %eq3A_38 : vector<64x10000xi32>
    %convert_element_type3A = arith.extui %eq3A_39 : vector<64x10000xi1> to vector<64x10000xi32>
    %convert_element_type3A_40 = arith.sitofp %convert_element_type3A : vector<64x10000xi32> to vector<64x10000xf32>
    %dot_general3A = arith.constant dense<0.000000e+00> : vector<64x128xf32>
    %dot_general3A_41 = tpu.matmul %convert_element_type3A_40, %max3A_34, %dot_general3A {dimension_numbers = #tpu.dot_dimension_numbers<[1], [0], [0], [1], [0, 0, 1, 1], [], []>, transpose_lhs_hint = false} : vector<64x10000xf32>, vector<10000x128xf32>, vector<64x128xf32> -> vector<64x128xf32>
    %reduce_sum3A = arith.constant dense<0.000000e+00> : vector<64xf32>
    %reduce_sum3A_42 = vector.multi_reduction <add>, %convert_element_type3A_40, %reduce_sum3A [1] : vector<64x10000xf32> to vector<64xf32>
    %broadcast_in_dim3A = vector.shape_cast %reduce_sum3A_42 : vector<64xf32> to vector<64x1xf32>
    %max3A_43 = arith.constant 1.000000e+00 : f32
    %max3A_44 = vector.broadcast %max3A_43 : f32 to vector<64x1xf32>
    %max3A_45 = arith.maximumf %broadcast_in_dim3A, %max3A_44 : vector<64x1xf32>
    %div3A = vector.broadcast %max3A_45 : vector<64x1xf32> to vector<64x128xf32>
    %div3A_46 = arith.divf %dot_general3A_41, %div3A : vector<64x128xf32>
    %get3A_47 = arith.constant 0 : index
    %get3A_48 = arith.constant 0 : index
    %get3A_49 = vector.load %arg5[%get3A_47, %get3A_48] : memref<128x64xf32, #tpu.memory_space<vmem>>, vector<128x64xf32>
    %dot_general3A_50 = arith.constant dense<0.000000e+00> : vector<64x64xf32>
    %dot_general3A_51 = tpu.matmul %div3A_46, %get3A_49, %dot_general3A_50 {dimension_numbers = #tpu.dot_dimension_numbers<[1], [0], [0], [1], [0, 0, 1, 1], [], []>, transpose_lhs_hint = false} : vector<64x128xf32>, vector<128x64xf32>, vector<64x64xf32> -> vector<64x64xf32>
    %get3A_52 = arith.constant 0 : index
    %get3A_53 = arith.constant 0 : index
    %get3A_54 = vector.load %arg6[%get3A_52, %get3A_53] : memref<1x64xf32, #tpu.memory_space<vmem>>, vector<1x64xf32>
    %add3A_55 = vector.broadcast %get3A_54 : vector<1x64xf32> to vector<64x64xf32>
    %add3A_56 = arith.addf %dot_general3A_51, %add3A_55 : vector<64x64xf32>
    %max3A_57 = arith.constant 0.000000e+00 : f32
    %max3A_58 = vector.broadcast %max3A_57 : f32 to vector<64x64xf32>
    %max3A_59 = arith.maximumf %add3A_56, %max3A_58 : vector<64x64xf32>
    %get3A_60 = arith.constant 0 : index
    %get3A_61 = arith.constant 0 : index
    %get3A_62 = vector.load %arg7[%get3A_60, %get3A_61] : memref<64x16xf32, #tpu.memory_space<vmem>>, vector<64x16xf32>
    %dot_general3A_63 = arith.constant dense<0.000000e+00> : vector<64x16xf32>
    %dot_general3A_64 = tpu.matmul %max3A_59, %get3A_62, %dot_general3A_63 {dimension_numbers = #tpu.dot_dimension_numbers<[1], [0], [0], [1], [0, 0, 1, 1], [], []>, transpose_lhs_hint = false} : vector<64x64xf32>, vector<64x16xf32>, vector<64x16xf32> -> vector<64x16xf32>
    %get3A_65 = arith.constant 0 : index
    %get3A_66 = arith.constant 0 : index
    %get3A_67 = vector.load %arg8[%get3A_65, %get3A_66] : memref<1x16xf32, #tpu.memory_space<vmem>>, vector<1x16xf32>
    %add3A_68 = vector.broadcast %get3A_67 : vector<1x16xf32> to vector<64x16xf32>
    %add3A_69 = arith.addf %dot_general3A_64, %add3A_68 : vector<64x16xf32>
    %reduce_max3A = arith.constant dense<0xFF800000> : vector<64xf32>
    %reduce_max3A_70 = vector.multi_reduction <maximumf>, %add3A_69, %reduce_max3A [1] : vector<64x16xf32> to vector<64xf32>
    %broadcast_in_dim3A_71 = vector.shape_cast %reduce_max3A_70 : vector<64xf32> to vector<64x1xf32>
    %sub3A = vector.broadcast %broadcast_in_dim3A_71 : vector<64x1xf32> to vector<64x16xf32>
    %sub3A_72 = arith.subf %add3A_69, %sub3A : vector<64x16xf32>
    %exp3A = math.exp %sub3A_72 : vector<64x16xf32>
    %reduce_sum3A_73 = arith.constant dense<0.000000e+00> : vector<64xf32>
    %reduce_sum3A_74 = vector.multi_reduction <add>, %exp3A, %reduce_sum3A_73 [1] : vector<64x16xf32> to vector<64xf32>
    %broadcast_in_dim3A_75 = vector.shape_cast %reduce_sum3A_74 : vector<64xf32> to vector<64x1xf32>
    %div3A_76 = vector.broadcast %broadcast_in_dim3A_75 : vector<64x1xf32> to vector<64x16xf32>
    %div3A_77 = arith.divf %exp3A, %div3A_76 : vector<64x16xf32>
    %swap3A = arith.constant 0 : index
    %swap3A_78 = arith.constant 0 : index
    %swap3A_79 = vector.load %arg11[%swap3A, %swap3A_78] : memref<64x16xf32, #tpu.memory_space<vmem>>, vector<64x16xf32>
    tpu.vector_store %arg11[%swap3A, %swap3A_78], %div3A_77 {strides = array<i32>} : memref<64x16xf32, #tpu.memory_space<vmem>>, vector<64x16xf32>,
    %get3A_80 = arith.constant 0 : index
    %get3A_81 = arith.constant 0 : index
    %get3A_82 = vector.load %arg9[%get3A_80, %get3A_81] : memref<64x1xf32, #tpu.memory_space<vmem>>, vector<64x1xf32>
    %dot_general3A_83 = arith.constant dense<0.000000e+00> : vector<64x1xf32>
    %dot_general3A_84 = tpu.matmul %max3A_59, %get3A_82, %dot_general3A_83 {dimension_numbers = #tpu.dot_dimension_numbers<[1], [0], [0], [1], [0, 0, 1, 1], [], []>, transpose_lhs_hint = false} : vector<64x64xf32>, vector<64x1xf32>, vector<64x1xf32> -> vector<64x1xf32>
    %get3A_85 = arith.constant 0 : index
    %get3A_86 = arith.constant 0 : index
    %get3A_87 = vector.load %arg10[%get3A_85, %get3A_86] : memref<1x1xf32, #tpu.memory_space<vmem>>, vector<1x1xf32>
    %add3A_88 = vector.broadcast %get3A_87 : vector<1x1xf32> to vector<64x1xf32>
    %add3A_89 = arith.addf %dot_general3A_84, %add3A_88 : vector<64x1xf32>
    %swap3A_90 = arith.constant 0 : index
    %swap3A_91 = arith.constant 0 : index
    %swap3A_92 = vector.load %arg12[%swap3A_90, %swap3A_91] : memref<64x1xf32, #tpu.memory_space<vmem>>, vector<64x1xf32>
    tpu.vector_store %arg12[%swap3A_90, %swap3A_91], %add3A_89 {strides = array<i32>} : memref<64x1xf32, #tpu.memory_space<vmem>>, vector<64x1xf32>,
    return
  }
}

</mosaic_0001>

<sc_bundles>
// kernel: kernel.6.cloned.1.call-start
scs
__scs_entry_jumppad:
0x0: {  	(pc) =	sbr.rel $0x88, $3  }
0x1: {  	(tag) =	ssettag $0x0;
	lr =	simm.s32 $0x1  }
0x2: {  	[smem:$0x3F96] =	sst lr;
	_ =	strace $0xD0000000  }
0x3: {  	_ = 	snop  }
0x4: {  	_ = 	snop  }
0x5: {  	_ = 	snop  }
0x6: {  	_ = 	snop  }
0x7: {  	_ = 	snop  }
__scs_overlays_trampoline_lowered:
0x8: {  	[smem:$0x3FA5] =	sst s0  }
0x9: {  	[smem:$0x3FA6] =	sst s1  }
0xa: {  	[smem:$0x3FA7] =	sst s2  }
0xb: {  	[smem:$0x3FA8] =	sst s3  }
0xc: {  	[smem:$0x3FA9] =	sst s4  }
0xd: {  	[smem:$0x3FAA] =	sst s5  }
0xe: {  	[smem:$0x3FAB] =	sst s6  }
0xf: {  	[smem:$0x3FAC] =	sst s7  }
0x10: {  	[smem:$0x3FAD] =	sst s8  }
0x11: {  	[smem:$0x3FAE] =	sst s9;
	s0 =	simm.s32 @!p0 $0x0  }
0x12: {  	s1 =	sld [smem:$0x3F94];
	s0 =	simm.s32 @p0 $0x1  }
0x13: {  	[smem:$0x3FAF] =	sst s0;
	s0 =	simm.s32 @!p1 $0x0  }
0x14: {  	s2 =	sld [smem:$0x3F93];
	s0 =	simm.s32 @p1 $0x1  }
0x15: {  	[smem:$0x3FB0] =	sst s0;
	s0 =	simm.s32 @!p2 $0x0  }
0x16: {  	s3 =	sld [smem:$0x3FDB];
	s0 =	simm.s32 @p2 $0x1  }
0x17: {  	s4 =	simm.s32 $0x1BF5;
	[smem:$0x3FB2] =	sst s0  }
0x18: {  	s0 =	sld [smem:$0x3F95];
	_ =	swait.ge [sflag:s4], $0x0  }
0x19: {  	s7 =	sld [smem:$0x3F96]  }
0x1a: {  	s8 =	sadd.s32 $0xFFFFE003, lr  }
0x1b: {  	s9 =	sadd.s32 $0xFFFFFEF7, lr;
	s5 =	simm.s32 $0xFFFFFFFF;
	p2 =	slt.u32 s8, $0xFFFFF086  }
0x1c: {  	p1 =	slt.u32 s9, $0xF7A;
	s5 =	simm.s32 @!p2 $0x0  }
0x1d: {  	s5 =	simm.s32 @p1 $0x1;
	p0 =	seq.s32 s7, s2  }
0x1e: {  	s7 =	smul.u32 @!p0 $0xF7A, s2;
	p2 =	seq.s32 @!p0 s5, $0x0  }
0x1f: {  	s9 =	smul.u32 $0xF7A, s1;
	s8 =	simm.s32 @!p0 $0x1BF5;
	p2 =	por !p2, p0  }
0x20: {  	[sflag:s8] =	ssyncset.s32 @!p0 $0xFFFFF086;
	s6 =	sadd.s32 @!p0 s3, s7;
	s7 =	simm.s32 @!p0 $0x108  }
0x21: {  	s3 =	sadd.s32 s3, s9;
	s6 =	sadd.s32 @!p0 $0x88, s6;
	s7 =	simm.s32 @p2 $0x1082  }
0x22: {  	[simem:s7], [sflag:s8] =	dma.local @!p0 [hbm:s6], $0xF7A  }
0x23: {  	s9 =	sor.u32 $0xD0000000, s2;
	s6 =	simm.s32 $0x108;
	_ =	swait.ge @!p0 [sflag:s8], $0x0  }
0x24: {  	s3 =	sadd.s32 $0x88, s3;
	s6 =	simm.s32 @!p1 $0x1082;
	[sflag:s4] =	ssyncset.s32 $0xFFFFF086  }
0x25: {  	[simem:s6], [sflag:s4] =	dma.local [hbm:s3], $0xF7A  }
0x26: {  	[smem:$0x3F96] =	sst s1;
	(tag) =	ssettag s2;
	_ =	strace s9  }
0x27: {  	s1 =	sld [smem:$0x3FA6]  }
0x28: {  	s2 =	sld [smem:$0x3FA7]  }
0x29: {  	s4 =	sld [smem:$0x3FA9]  }
0x2a: {  	p0 =	seq.s32 s5, $0x0;
	s5 =	sld [smem:$0x3FAA]  }
0x2b: {  	s6 =	sld [smem:$0x3FAB]  }
0x2c: {  	s7 =	sld [smem:$0x3FAC]  }
0x2d: {  	s3 =	simm.s32 $0x108;
	s8 =	sld [smem:$0x3FAD]  }
0x2e: {  	s3 =	simm.s32 @!p0 $0x1082;
	s9 =	sld [smem:$0x3FAE]  }
0x2f: {  	lr =	sadd.s32 s0, s3;
	s0 =	sld [smem:$0x3FA5]  }
0x30: {  	s3 =	sld [smem:$0x3FA8]  }
0x31: {  	[smem:$0x3FB1] =	sst s10  }
0x32: {  	s10 =	sld [smem:$0x3FAF];
	_ =	sdelay $0x3  }
0x33: {  	p0 =	seq.s32 s10, $0x1;
	s10 =	sld [smem:$0x3FB1];
	_ =	sdelay $0x3  }
0x34: {  	[smem:$0x3FB1] =	sst s10  }
0x35: {  	s10 =	sld [smem:$0x3FB0];
	_ =	sdelay $0x3  }
0x36: {  	p1 =	seq.s32 s10, $0x1;
	s10 =	sld [smem:$0x3FB1];
	_ =	sdelay $0x3  }
0x37: {  	[smem:$0x3FB1] =	sst s10  }
0x38: {  	s10 =	sld [smem:$0x3FB2]  }
0x39: {  	_ = 	snop;
	(pc) =	sbr.ind lr, $3  }
0x3a: {  	_ = 	snop  }
0x3b: {  	_ = 	snop  }
0x3c: {  	p2 =	seq.s32 s10, $0x1;
	s10 =	sld [smem:$0x3FB1]  }
0x3d: {  	_ =	shalt  }
0x3e: {  	_ =	shalt  }
0x3f: {  	_ =	shalt  }
0x40: {  	_ =	shalt  }
0x41: {  	_ =	shalt  }
0x42: {  	_ =	shalt  }
0x43: {  	_ =	shalt  }
0x44: {  	_ =	shalt  }
0x45: {  	_ =	shalt  }
0x46: {  	_ =	shalt  }
0x47: {  	_ =	shalt  }
0x48: {  	_ =	shalt  }
0x49: {  	_ =	shalt  }
0x4a: {  	_ =	shalt  }
0x4b: {  	_ =	shalt  }
0x4c: {  	_ =	shalt  }
0x4d: {  	_ =	shalt  }
0x4e: {  	_ =	shalt  }
0x4f: {  	_ =	shalt  }
0x50: {  	_ =	shalt  }
0x51: {  	_ =	shalt  }
0x52: {  	_ =	shalt  }
0x53: {  	_ =	shalt  }
0x54: {  	_ =	shalt  }
0x55: {  	_ =	shalt  }
0x56: {  	_ =	shalt  }
0x57: {  	_ =	shalt  }
0x58: {  	_ =	shalt  }
0x59: {  	_ =	shalt  }
0x5a: {  	_ =	shalt  }
0x5b: {  	_ =	shalt  }
0x5c: {  	_ =	shalt  }
0x5d: {  	_ =	shalt  }
0x5e: {  	_ =	shalt  }
0x5f: {  	_ =	shalt  }
0x60: {  	_ =	shalt  }
0x61: {  	_ =	shalt  }
0x62: {  	_ =	shalt  }
0x63: {  	_ =	shalt  }
0x64: {  	_ =	shalt  }
0x65: {  	_ =	shalt  }
0x66: {  	_ =	shalt  }
0x67: {  	_ =	shalt  }
0x68: {  	_ =	shalt  }
0x69: {  	_ =	shalt  }
0x6a: {  	_ =	shalt  }
0x6b: {  	_ =	shalt  }
0x6c: {  	_ =	shalt  }
0x6d: {  	_ =	shalt  }
0x6e: {  	_ =	shalt  }
0x6f: {  	_ =	shalt  }
0x70: {  	_ =	shalt  }
0x71: {  	_ =	shalt  }
0x72: {  	_ =	shalt  }
0x73: {  	_ =	shalt  }
0x74: {  	_ =	shalt  }
0x75: {  	_ =	shalt  }
0x76: {  	_ =	shalt  }
0x77: {  	_ =	shalt  }
0x78: {  	_ =	shalt  }
0x79: {  	_ =	shalt  }
0x7a: {  	_ =	shalt  }
0x7b: {  	_ =	shalt  }
0x7c: {  	_ =	shalt  }
0x7d: {  	_ =	shalt  }
0x7e: {  	_ =	shalt  }
0x7f: {  	_ =	shalt  }
0x80: {  	_ =	shalt  }
0x81: {  	_ =	shalt  }
0x82: {  	_ =	shalt  }
0x83: {  	_ =	shalt  }
0x84: {  	_ =	shalt  }
0x85: {  	_ =	shalt  }
0x86: {  	_ =	shalt  }
0x87: {  	_ =	shalt  }
.Lfunc_end0:
.L_simem_size_0:
called_computation_lowered:
.L_overlay_start_0:
0x88: {  	s2 =	sld [smem:$0x3FD9]  }
0x89: {  	s3 =	sld [smem:$0x3FFE];
	_ =	sdelay $0x1  }
0x8a: {  	s1 =	srdreg.scid  }
0x8b: {  	s0 =	sand.u32 $0x1, s1  }
0x8c: {  	s16 =	sshll.u32 s0, $0xA;
	s2 =	sadd.s32 s3, s2  }
0x8d: {  	s2 =	sadd.s32 s2, s16  }
0x8e: {  	[smem:$0x3FBD] =	sst s2  }
0x8f: {  	_ = 	snop  }
0x90: {  	(tm) =	ssettm $0x1  }
0x91: {  	s17 =	sld [smem:$0x3FFB];
	_ =	sdelay $0x3  }
0x92: {  	_ =	strace s17  }
0x93: {  	s2 =	sld [smem:$0x3FFC];
	_ =	sdelay $0x3  }
0x94: {  	_ =	strace s2  }
0x95: {  	s2 =	sld [smem:$0x3FFD];
	_ =	sdelay $0x3  }
0x96: {  	_ =	strace s2  }
0x97: {  	_ =	strace $0x8FFFFFFF  }
0x98: {  	s18 =	sld [smem:$0x3FDB];
	_ =	sdelay $0x1  }
0x99: {  	s19 =	simm.s32 $_scs_section_size  }
0x9a: {  	s4 =	simm.s32 $_size__tile_overlayer_lowered;
	s5 =	simm.s32 $_tile_overlayer_lowered  }
0x9b: {  	s22 =	simm.s32 $0x1BFF;
	s21 =	sshll.u32 s5, $0x1;
	s2 =	sadd.s32 s19, s18  }
0x9c: {  	s6 =	simm.s32 $0x0;
	s20 =	sshll.u32 s4, $0x1;
	s4 =	sadd.s32 s21, s2  }
0x9d: {  	[timem:s6], [sflag:s22] =	dma.local [hbm:s4], s20  }
0x9e: {  	_ =	swait.ge [sflag:s22], s20  }
0x9f: {  	s3 =	ssub.s32 $0x0, s20;
	[sflag:s22] =	ssyncset.done $0x0  }
0xa0: {  	[sflag:s22] =	ssyncadd.s32 s3;
	_ =	sdelay $0x1  }
0xa1: {  	s23 =	simm.s32 $0x1B8B  }
0xa2: {  	_ =	swait.ge [sflag:s23], $0x1  }
0xa3: {  	[sflag:s23] =	ssyncset.done $0x0  }
0xa4: {  	s25 =	simm.s32 $0x1B8E;
	s24 =	sld [smem:$0x3FFE];
	[sflag:s23] =	ssyncadd.s32 $0xFFFFFFFF  }
0xa5: {  	s26 =	simm.s32 $execute0_lowered;
	[smem:$0x3FD2] =	sst s25  }
0xa6: {  	s4 =	sshll.u32 s26, $0x1;
	_ =	strace $0x80000046;
	[dreg:$0x1] =	wrdreg $0xFFFFFFFF  }
0xa7: {  	s28 =	simm.s32 $_size_execute0_lowered;
	s2 =	sadd.s32 s2, s4;
	[dreg:$0x0] =	wrdreg $0x0  }
0xa8: {  	s4 =	sshll.u32 s28, $0x1;
	[dreg:$0x2] =	wrdreg s2  }
0xa9: {  	[dreg:$0x3] =	wrdreg s4  }
0xaa: {  	[dreg:$0x4] =	wrdreg $0xC0  }
0xab: {  	_ =	task [dreg:s6], $0x5FFFF  }
0xac: {  	[dreg:$0x1] =	wrdreg $0xFFFFFFFF  }
0xad: {  	[dreg:$0x0] =	wrdreg $0x60  }
0xae: {  	[dreg:$0x2] =	wrdreg s24  }
0xaf: {  	[dreg:$0x3] =	wrdreg $0xEC000  }
0xb0: {  	[dreg:$0x4] =	wrdreg $0x9  }
0xb1: {  	_ =	task.clear_ibuf [dreg:s6], $0x5FFFF;
	_ =	strace $0x90000046  }
0xb2: {  	s29 =	simm.s32 $0x9;
	_ =	strace $0x80000048  }
0xb3: {  	_ =	swait.ge [sflag:s29], $0x1  }
0xb4: {  	[sflag:s29] =	ssyncadd.s32 $0xFFFFFFFF  }
0xb5: {  	_ =	strace $0x90000048  }
0xb6: {  	_ =	sfence  }
0xb7: {  	s30 =	sld [smem:$0x0];
	_ =	sdelay $0x2  }
0xb8: {  	s31 =	sshll.u32 s1, $0xD;
	s1 =	sshrl.u32 s1, $0x2  }
0xb9: {  	s3 =	sand.u32 $0x4000, s31;
	s1 =	sadd.s32 s1, s30  }
0xba: {  	s0 =	sor.u32 s3, s0;
	s1 =	sshll.u32 s1, $0x11  }
0xbb: {  	s0 =	sor.u32 s1, s0  }
0xbc: {  	s0 =	sadd.s32 $0x8F2B, s0  }
0xbd: {  	[sflag:s0] =	ssyncadd.remote.s32 $0x1  }
0xbe: {  	_ =	sfence.sel $0xFFFF  }
0xbf: {  	[dreg:$0x0] =	wrdreg $0xFFFFFFFF;
	(pc) =	sbr.abs _section_cstart, $3  }
0xc0: {  	[dreg:$0x1] =	wrdreg $0xFFFFFFFF  }
0xc1: {  	_ =	task.clear_ibuf [dreg:s6], $0x2FFFF;
	_ =	strace $0x9FFFFFFF  }
0xc2: {  	(tm) =	ssettm $0x7FFFFFFF  }
0xc3: {  	_ =	shalt  }
tec
execute0_lowered:
.L_overlay_start_1:
0x0: {  	(tag) =	ssettag $0x1  }
0x1: {  	s1 =	srdreg.scid;
	s5 =	rddreg [dreg:$0x0]  }
0x2: {  	s0 =	stileid.u32;
	s2 =	rddreg [dreg:$0x1]  }
0x3: {  	s3 =	simm.s32 $0x0;
	s12 =	simm.s32 $0x2;
	s13 =	simm.s32 $0x2800  }
0x4: {  	s14 =	simm.s32 $0x80;
	s15 =	simm.s32 $0x6C00;
	s16 =	simm.s32 $0x2880  }
0x5: {  	s17 =	simm.s32 $0x2900;
	s18 =	simm.s32 $0x2980;
	s19 =	simm.s32 $0x2A00  }
0x6: {  	s20 =	simm.s32 $0x2C00;
	s21 =	simm.s32 $0xAC00;
	s22 =	simm.s32 $0x1  }
0x7: {  	s23 =	simm.s32 $0x0;
	s4 =	sand.u32 $0x1, s1;
	s29 =	sshll.u32 s0, $0x1  }
0x8: {  	s8 =	smul.u32 $0x13C00, s0;
	[smem:$0x7FF] =	sst s3;
	s30 =	sshll.u32 s0, $0x7  }
0x9: {  	s1 =	sor.u32 s4, s29;
	s7 =	smul.u32 $0x13C000, s4;
	s4 =	ssub.s32 $0x2, s4  }
0xa: {  	s6 =	smul.u32 $0x500, s1;
	s1 =	rddreg [dreg:$0x2];
	_ =	strace $0x80000047  }
0xb: {  	s31 =	sshrl.u32 s4, $0x1;
	s7 =	sadd.s32 s8, s7;
	s8 =	sadd.s32 s30, s5  }
0xc: {  	s11 =	ssub.s32 s4, s31;
	s6 =	sadd.s32 s6, s5;
	s7 =	sshrl.u32 s7, $0x3  }
0xd: {  	s11 =	smax.u32 s11, $0x1;
	s10 =	sadd.s32 s7, s5;
	s4 =	sadd.s32 $0x2800, s6  }
0xe: {  	s5 =	sadd.s32 $0xC800, s8;
	s6 =	sadd.s32 $0xD000, s10;
	s7 =	sadd.s32 $0xD800, s10  }
0xf: {  	v0 =	vimm.f32 $1.000000000e+00;
	v1 =	vimm.f32 $0.0e+00;
	s8 =	sadd.s32 $0xE000, s10;
	s9 =	sadd.s32 $0xE800, s10;
	s10 =	sadd.s32 $0xEF80, s10  }
.LBB2_1:
0x10: {  	s24 =	simm.s32 $0x0  }
.LBB2_2:
0x11: {  	p0 =	sne.s32 s24, $0xFE00  }
.Ltmp0:
0x12: {  	_ = 	snop;
	(pc) =	sbr.rel @p0 .LBB2_2-.Ltmp0, $3  }
0x13: {  	_ =	sdelay $0x1  }
0x14: {  	s25 =	sshra.s32 s24, $0x2  }
0x15: {  	s24 =	sadd.s32 $0x200, s24;
	[tilespmem:s25+$0x2C00] =	vst v0  }
0x16: {  	s24 =	simm.s32 $0x200;
	s25 =	simm.s32 $0x0  }
.LBB2_4:
0x17: {  	p0 =	sne.s32 s24, $0xFE00;
	[tilespmem:s25+$0x6C00] =	vst v1;
	s25 =	smov.u32 s24;
	s24 =	sadd.s32 $0x200, s24  }
.Ltmp1:
0x18: {  	(pc) =	sbr.rel @p0 .LBB2_4-.Ltmp1, $2  }
0x19: {  	_ =	sdelay $0x2  }
0x1a: {  	s25 =	sshra.s32 s25, $0x2  }
0x1b: {  	[tilespmem:s25+$0x6C00] =	vst v1;
	s24 =	simm.s32 $0x0  }
0x1c: {  	[tilespmem:s24], [sflag:$0x2] =	stream.linear.gather [hbm4b:s4+s24], $0x2800, $0x38;
	[tilespmem:$0x11380] =	vst v63  }
0x1d: {  	_ =	swait.ge [sflag:s12], $0x2800  }
0x1e: {  	[sflag:s12] =	ssyncset.done $0x0  }
0x1f: {  	[sflag:s12] =	ssyncadd.s32 $0xFFFFD800  }
0x20: {  	[tilespmem:s13], [sflag:$0x2] =	stream.linear.gather [hbm4b:s5+s24], $0x280, $0x38;
	[tilespmem:$0x11380] =	vst v63  }
0x21: {  	_ =	swait.ge [sflag:s12], $0x280  }
0x22: {  	[sflag:s12] =	ssyncset.done $0x0  }
0x23: {  	[sflag:s12] =	ssyncadd.s32 $0xFFFFFD80  }
0x24: {  	[spmem:s2] =	stream.indirect.scatter [tilespmem:s15], [sflag:$0x2], $0x10, s13, s14, $0xb8;
	[tilespmem:$0x11380] =	vst v63  }
0x25: {  	_ =	swait.ge [sflag:s12], $0x800  }
0x26: {  	[sflag:s12] =	ssyncset.done $0x0  }
0x27: {  	[sflag:s12] =	ssyncadd.s32 $0xFFFFF800  }
0x28: {  	[spmem:s2] =	stream.indirect.scatter [tilespmem:s15], [sflag:$0x2], $0x10, s16, s14, $0xb8;
	[tilespmem:$0x11380] =	vst v63  }
0x29: {  	_ =	swait.ge [sflag:s12], $0x800  }
0x2a: {  	[sflag:s12] =	ssyncset.done $0x0  }
0x2b: {  	[sflag:s12] =	ssyncadd.s32 $0xFFFFF800  }
0x2c: {  	[spmem:s2] =	stream.indirect.scatter [tilespmem:s15], [sflag:$0x2], $0x10, s17, s14, $0xb8;
	[tilespmem:$0x11380] =	vst v63  }
0x2d: {  	_ =	swait.ge [sflag:s12], $0x800  }
0x2e: {  	[sflag:s12] =	ssyncset.done $0x0  }
0x2f: {  	[sflag:s12] =	ssyncadd.s32 $0xFFFFF800  }
0x30: {  	[spmem:s2] =	stream.indirect.scatter [tilespmem:s15], [sflag:$0x2], $0x10, s18, s14, $0xb8;
	[tilespmem:$0x11380] =	vst v63  }
0x31: {  	_ =	swait.ge [sflag:s12], $0x800  }
0x32: {  	[sflag:s12] =	ssyncset.done $0x0  }
0x33: {  	[sflag:s12] =	ssyncadd.s32 $0xFFFFF800  }
0x34: {  	[spmem:s2] =	stream.indirect.scatter [tilespmem:s15], [sflag:$0x2], $0x10, s19, s14, $0xb8;
	[tilespmem:$0x11380] =	vst v63  }
0x35: {  	_ =	swait.ge [sflag:s12], $0x800  }
0x36: {  	[sflag:s12] =	ssyncset.done $0x0  }
0x37: {  	[sflag:s12] =	ssyncadd.s32 $0xFFFFF800  }
0x38: {  	s31 =	simm.s32 $0x0;
	[bflag:$0x0] =	sbarrier.arrive $0xFFFF  }
0x39: {  	[spmem:s2] =	stream.indirect.scatter.add.f32 [tilespmem:s20], [sflag:$0x2], $0x10, s31, s14, $0xb8;
	[tilespmem:$0x11380] =	vst v63  }
0x3a: {  	_ =	swait.ge [sflag:s12], $0x800  }
0x3b: {  	s24 =	simm.s32 $0x200;
	[sflag:s12] =	ssyncset.done $0x0  }
.LBB2_6:
0x3c: {  	s25 =	sshra.s32 s24, $0x2;
	[sflag:s12] =	ssyncadd.s32 $0xFFFFF800;
	p0 =	sne.s32 s24, $0x9E00  }
0x3d: {  	[spmem:s2] =	stream.indirect.scatter.add.f32 [tilespmem:s20], [sflag:$0x2], $0x10, s25, s14, $0xb8;
	[tilespmem:$0x11380] =	vst v63  }
.Ltmp2:
0x3e: {  	_ = 	snop;
	(pc) =	sbr.rel @p0 .LBB2_6-.Ltmp2, $4  }
0x3f: {  	_ = 	snop  }
0x40: {  	s24 =	sadd.s32 $0x200, s24  }
0x41: {  	_ =	swait.ge [sflag:s12], $0x800  }
0x42: {  	[sflag:s12] =	ssyncset.done $0x0  }
0x43: {  	[sflag:s12] =	ssyncadd.s32 $0xFFFFF800  }
0x44: {  	[bflag:$0x0] =	sbarrier.arrive $0xFFFF  }
0x45: {  	[tilespmem:s21], [sflag:$0x1] =	stream.indirect.gather [spmem:s2], $0x10, s13, s14, $0xb8;
	[tilespmem:$0x11380] =	vst v63  }
0x46: {  	_ =	swait.ge [sflag:s22], $0x800  }
0x47: {  	[sflag:s22] =	ssyncset.done $0x0  }
0x48: {  	[sflag:s22] =	ssyncadd.s32 $0xFFFFF800  }
0x49: {  	[hbm4b:s6+s3] =	stream.linear.scatter [tilespmem:s21], [sflag:$0x2], $0x4000, $0x38;
	[tilespmem:$0x11380] =	vst v63  }
0x4a: {  	_ =	swait.ge [sflag:s12], $0x4000  }
0x4b: {  	[sflag:s12] =	ssyncset.done $0x0  }
0x4c: {  	[sflag:s12] =	ssyncadd.s32 $0xFFFFC000  }
0x4d: {  	[tilespmem:s21], [sflag:$0x1] =	stream.indirect.gather [spmem:s2], $0x10, s16, s14, $0xb8;
	[tilespmem:$0x11380] =	vst v63  }
0x4e: {  	_ =	swait.ge [sflag:s22], $0x800  }
0x4f: {  	[sflag:s22] =	ssyncset.done $0x0  }
0x50: {  	[sflag:s22] =	ssyncadd.s32 $0xFFFFF800  }
0x51: {  	[hbm4b:s7+s3] =	stream.linear.scatter [tilespmem:s21], [sflag:$0x2], $0x4000, $0x38;
	[tilespmem:$0x11380] =	vst v63  }
0x52: {  	_ =	swait.ge [sflag:s12], $0x4000  }
0x53: {  	[sflag:s12] =	ssyncset.done $0x0  }
0x54: {  	[sflag:s12] =	ssyncadd.s32 $0xFFFFC000  }
0x55: {  	[tilespmem:s21], [sflag:$0x1] =	stream.indirect.gather [spmem:s2], $0x10, s17, s14, $0xb8;
	[tilespmem:$0x11380] =	vst v63  }
0x56: {  	_ =	swait.ge [sflag:s22], $0x800  }
0x57: {  	[sflag:s22] =	ssyncset.done $0x0  }
0x58: {  	[sflag:s22] =	ssyncadd.s32 $0xFFFFF800  }
0x59: {  	[hbm4b:s8+s3] =	stream.linear.scatter [tilespmem:s21], [sflag:$0x2], $0x4000, $0x38;
	[tilespmem:$0x11380] =	vst v63  }
0x5a: {  	_ =	swait.ge [sflag:s12], $0x4000  }
0x5b: {  	[sflag:s12] =	ssyncset.done $0x0  }
0x5c: {  	[sflag:s12] =	ssyncadd.s32 $0xFFFFC000  }
0x5d: {  	[tilespmem:s21], [sflag:$0x1] =	stream.indirect.gather [spmem:s2], $0x10, s18, s14, $0xb8;
	[tilespmem:$0x11380] =	vst v63  }
0x5e: {  	_ =	swait.ge [sflag:s22], $0x800  }
0x5f: {  	[sflag:s22] =	ssyncset.done $0x0  }
0x60: {  	[sflag:s22] =	ssyncadd.s32 $0xFFFFF800  }
0x61: {  	[hbm4b:s9+s3] =	stream.linear.scatter [tilespmem:s21], [sflag:$0x2], $0x4000, $0x38;
	[tilespmem:$0x11380] =	vst v63  }
0x62: {  	_ =	swait.ge [sflag:s12], $0x4000  }
0x63: {  	[sflag:s12] =	ssyncset.done $0x0  }
0x64: {  	[sflag:s12] =	ssyncadd.s32 $0xFFFFC000  }
0x65: {  	[tilespmem:s21], [sflag:$0x1] =	stream.indirect.gather [spmem:s2], $0x10, s19, s14, $0xb8;
	[tilespmem:$0x11380] =	vst v63  }
0x66: {  	s23 =	sadd.s32 $0x1, s23;
	_ =	swait.ge [sflag:s22], $0x800  }
0x67: {  	p0 =	sne.s32 s23, s11;
	[sflag:s22] =	ssyncset.done $0x0  }
.Ltmp3:
0x68: {  	[sflag:s22] =	ssyncadd.s32 $0xFFFFF800;
	(pc) =	sbr.rel @p0 .LBB2_1-.Ltmp3, $4  }
0x69: {  	[hbm4b:s10+s3] =	stream.linear.scatter [tilespmem:s21], [sflag:$0x2], $0x4000, $0x38;
	[tilespmem:$0x11380] =	vst v63  }
0x6a: {  	_ =	swait.ge [sflag:s12], $0x4000  }
0x6b: {  	[sflag:s12] =	ssyncset.done $0x0  }
0x6c: {  	[sflag:s12] =	ssyncadd.s32 $0xFFFFC000  }
0x6d: {  	_ =	sfence.sel $0x180000  }
0x6e: {  	[bflag:$0x0] =	sbarrier.arrive $0xFFFF  }
0x6f: {  	p0 =	sne.s32 s0, $0x0;
	_ =	strace $0x90000047  }
0x70: {  	s0 =	sadd.s32 @!p0 $0x100000, s1;
	[bflag:$0x2] =	sbarrier.arrive $0xFFFF  }
0x71: {  	[sflag:s0] =	ssyncadd.tile.s32 @!p0 $0x1;
	_ =	shalt  }
.Lfunc_end2:
_tile_overlayer_lowered:
.L_overlay_start_2:
0x72: {  	(tag) =	ssettag $0x2  }
0x73: {  	s0 =	rddreg [dreg:$0x0];
	s2 =	stileid.u32  }
0x74: {  	s1 =	rddreg [dreg:$0x1];
	p0 =	sne.s32 s2, $0x0  }
0x75: {  	s3 =	rddreg [dreg:$0x2];
	[bflag:$0x3] =	sbarrier.arrive $0xFFFF;
	s2 =	simm.s32 @!p0 $0x1C02  }
0x76: {  	[timem:s3], [sflag:s2] =	dma.local @!p0 [hbm:s0], s1  }
0x77: {  	s0 =	simm.s32 @!p0 $0x2  }
0x78: {  	_ =	swait.ge @!p0 [sflag:s0], s1  }
0x79: {  	s1 =	ssub.s32 @!p0 $0x0, s1;
	[sflag:s0] =	ssyncset.done @!p0 $0x0  }
0x7a: {  	[sflag:s0] =	ssyncadd.s32 @!p0 s1  }
0x7b: {  	[bflag:$0x3] =	sbarrier.arrive $0xFFFF  }
0x7c: {  	_ =	shalt  }

// kernel: kernel.9.cloned.1.call-start
scs
__scs_entry_jumppad:
0x0: {  	(pc) =	sbr.rel $0x88, $3  }
0x1: {  	(tag) =	ssettag $0x0;
	lr =	simm.s32 $0x1  }
0x2: {  	[smem:$0x3F96] =	sst lr;
	_ =	strace $0xD0000000  }
0x3: {  	_ = 	snop  }
0x4: {  	_ = 	snop  }
0x5: {  	_ = 	snop  }
0x6: {  	_ = 	snop  }
0x7: {  	_ = 	snop  }
__scs_overlays_trampoline_lowered:
0x8: {  	[smem:$0x3FA5] =	sst s0  }
0x9: {  	[smem:$0x3FA6] =	sst s1  }
0xa: {  	[smem:$0x3FA7] =	sst s2  }
0xb: {  	[smem:$0x3FA8] =	sst s3  }
0xc: {  	[smem:$0x3FA9] =	sst s4  }
0xd: {  	[smem:$0x3FAA] =	sst s5  }
0xe: {  	[smem:$0x3FAB] =	sst s6  }
0xf: {  	[smem:$0x3FAC] =	sst s7  }
0x10: {  	[smem:$0x3FAD] =	sst s8  }
0x11: {  	[smem:$0x3FAE] =	sst s9;
	s0 =	simm.s32 @!p0 $0x0  }
0x12: {  	s1 =	sld [smem:$0x3F94];
	s0 =	simm.s32 @p0 $0x1  }
0x13: {  	[smem:$0x3FAF] =	sst s0;
	s0 =	simm.s32 @!p1 $0x0  }
0x14: {  	s2 =	sld [smem:$0x3F93];
	s0 =	simm.s32 @p1 $0x1  }
0x15: {  	[smem:$0x3FB0] =	sst s0;
	s0 =	simm.s32 @!p2 $0x0  }
0x16: {  	s3 =	sld [smem:$0x3FDB];
	s0 =	simm.s32 @p2 $0x1  }
0x17: {  	s4 =	simm.s32 $0x1BF5;
	[smem:$0x3FB2] =	sst s0  }
0x18: {  	s0 =	sld [smem:$0x3F95];
	_ =	swait.ge [sflag:s4], $0x0  }
0x19: {  	s7 =	sld [smem:$0x3F96]  }
0x1a: {  	s8 =	sadd.s32 $0xFFFFE003, lr  }
0x1b: {  	s9 =	sadd.s32 $0xFFFFFEF7, lr;
	s5 =	simm.s32 $0xFFFFFFFF;
	p2 =	slt.u32 s8, $0xFFFFF086  }
0x1c: {  	p1 =	slt.u32 s9, $0xF7A;
	s5 =	simm.s32 @!p2 $0x0  }
0x1d: {  	s5 =	simm.s32 @p1 $0x1;
	p0 =	seq.s32 s7, s2  }
0x1e: {  	s7 =	smul.u32 @!p0 $0xF7A, s2;
	p2 =	seq.s32 @!p0 s5, $0x0  }
0x1f: {  	s9 =	smul.u32 $0xF7A, s1;
	s8 =	simm.s32 @!p0 $0x1BF5;
	p2 =	por !p2, p0  }
0x20: {  	[sflag:s8] =	ssyncset.s32 @!p0 $0xFFFFF086;
	s6 =	sadd.s32 @!p0 s3, s7;
	s7 =	simm.s32 @!p0 $0x108  }
0x21: {  	s3 =	sadd.s32 s3, s9;
	s6 =	sadd.s32 @!p0 $0x88, s6;
	s7 =	simm.s32 @p2 $0x1082  }
0x22: {  	[simem:s7], [sflag:s8] =	dma.local @!p0 [hbm:s6], $0xF7A  }
0x23: {  	s9 =	sor.u32 $0xD0000000, s2;
	s6 =	simm.s32 $0x108;
	_ =	swait.ge @!p0 [sflag:s8], $0x0  }
0x24: {  	s3 =	sadd.s32 $0x88, s3;
	s6 =	simm.s32 @!p1 $0x1082;
	[sflag:s4] =	ssyncset.s32 $0xFFFFF086  }
0x25: {  	[simem:s6], [sflag:s4] =	dma.local [hbm:s3], $0xF7A  }
0x26: {  	[smem:$0x3F96] =	sst s1;
	(tag) =	ssettag s2;
	_ =	strace s9  }
0x27: {  	s1 =	sld [smem:$0x3FA6]  }
0x28: {  	s2 =	sld [smem:$0x3FA7]  }
0x29: {  	s4 =	sld [smem:$0x3FA9]  }
0x2a: {  	p0 =	seq.s32 s5, $0x0;
	s5 =	sld [smem:$0x3FAA]  }
0x2b: {  	s6 =	sld [smem:$0x3FAB]  }
0x2c: {  	s7 =	sld [smem:$0x3FAC]  }
0x2d: {  	s3 =	simm.s32 $0x108;
	s8 =	sld [smem:$0x3FAD]  }
0x2e: {  	s3 =	simm.s32 @!p0 $0x1082;
	s9 =	sld [smem:$0x3FAE]  }
0x2f: {  	lr =	sadd.s32 s0, s3;
	s0 =	sld [smem:$0x3FA5]  }
0x30: {  	s3 =	sld [smem:$0x3FA8]  }
0x31: {  	[smem:$0x3FB1] =	sst s10  }
0x32: {  	s10 =	sld [smem:$0x3FAF];
	_ =	sdelay $0x3  }
0x33: {  	p0 =	seq.s32 s10, $0x1;
	s10 =	sld [smem:$0x3FB1];
	_ =	sdelay $0x3  }
0x34: {  	[smem:$0x3FB1] =	sst s10  }
0x35: {  	s10 =	sld [smem:$0x3FB0];
	_ =	sdelay $0x3  }
0x36: {  	p1 =	seq.s32 s10, $0x1;
	s10 =	sld [smem:$0x3FB1];
	_ =	sdelay $0x3  }
0x37: {  	[smem:$0x3FB1] =	sst s10  }
0x38: {  	s10 =	sld [smem:$0x3FB2]  }
0x39: {  	_ = 	snop;
	(pc) =	sbr.ind lr, $3  }
0x3a: {  	_ = 	snop  }
0x3b: {  	_ = 	snop  }
0x3c: {  	p2 =	seq.s32 s10, $0x1;
	s10 =	sld [smem:$0x3FB1]  }
0x3d: {  	_ =	shalt  }
0x3e: {  	_ =	shalt  }
0x3f: {  	_ =	shalt  }
0x40: {  	_ =	shalt  }
0x41: {  	_ =	shalt  }
0x42: {  	_ =	shalt  }
0x43: {  	_ =	shalt  }
0x44: {  	_ =	shalt  }
0x45: {  	_ =	shalt  }
0x46: {  	_ =	shalt  }
0x47: {  	_ =	shalt  }
0x48: {  	_ =	shalt  }
0x49: {  	_ =	shalt  }
0x4a: {  	_ =	shalt  }
0x4b: {  	_ =	shalt  }
0x4c: {  	_ =	shalt  }
0x4d: {  	_ =	shalt  }
0x4e: {  	_ =	shalt  }
0x4f: {  	_ =	shalt  }
0x50: {  	_ =	shalt  }
0x51: {  	_ =	shalt  }
0x52: {  	_ =	shalt  }
0x53: {  	_ =	shalt  }
0x54: {  	_ =	shalt  }
0x55: {  	_ =	shalt  }
0x56: {  	_ =	shalt  }
0x57: {  	_ =	shalt  }
0x58: {  	_ =	shalt  }
0x59: {  	_ =	shalt  }
0x5a: {  	_ =	shalt  }
0x5b: {  	_ =	shalt  }
0x5c: {  	_ =	shalt  }
0x5d: {  	_ =	shalt  }
0x5e: {  	_ =	shalt  }
0x5f: {  	_ =	shalt  }
0x60: {  	_ =	shalt  }
0x61: {  	_ =	shalt  }
0x62: {  	_ =	shalt  }
0x63: {  	_ =	shalt  }
0x64: {  	_ =	shalt  }
0x65: {  	_ =	shalt  }
0x66: {  	_ =	shalt  }
0x67: {  	_ =	shalt  }
0x68: {  	_ =	shalt  }
0x69: {  	_ =	shalt  }
0x6a: {  	_ =	shalt  }
0x6b: {  	_ =	shalt  }
0x6c: {  	_ =	shalt  }
0x6d: {  	_ =	shalt  }
0x6e: {  	_ =	shalt  }
0x6f: {  	_ =	shalt  }
0x70: {  	_ =	shalt  }
0x71: {  	_ =	shalt  }
0x72: {  	_ =	shalt  }
0x73: {  	_ =	shalt  }
0x74: {  	_ =	shalt  }
0x75: {  	_ =	shalt  }
0x76: {  	_ =	shalt  }
0x77: {  	_ =	shalt  }
0x78: {  	_ =	shalt  }
0x79: {  	_ =	shalt  }
0x7a: {  	_ =	shalt  }
0x7b: {  	_ =	shalt  }
0x7c: {  	_ =	shalt  }
0x7d: {  	_ =	shalt  }
0x7e: {  	_ =	shalt  }
0x7f: {  	_ =	shalt  }
0x80: {  	_ =	shalt  }
0x81: {  	_ =	shalt  }
0x82: {  	_ =	shalt  }
0x83: {  	_ =	shalt  }
0x84: {  	_ =	shalt  }
0x85: {  	_ =	shalt  }
0x86: {  	_ =	shalt  }
0x87: {  	_ =	shalt  }
.Lfunc_end0:
.L_simem_size_0:
called_computation.1_lowered:
.L_overlay_start_0:
0x88: {  	s2 =	sld [smem:$0x3FD9]  }
0x89: {  	s3 =	sld [smem:$0x3FFE];
	_ =	sdelay $0x1  }
0x8a: {  	s1 =	srdreg.scid  }
0x8b: {  	s0 =	sand.u32 $0x1, s1  }
0x8c: {  	s16 =	sshll.u32 s0, $0xA;
	s2 =	sadd.s32 s3, s2  }
0x8d: {  	s2 =	sadd.s32 s2, s16  }
0x8e: {  	[smem:$0x3FBD] =	sst s2  }
0x8f: {  	_ = 	snop  }
0x90: {  	(tm) =	ssettm $0x1  }
0x91: {  	s17 =	sld [smem:$0x3FFB];
	_ =	sdelay $0x3  }
0x92: {  	_ =	strace s17  }
0x93: {  	s2 =	sld [smem:$0x3FFC];
	_ =	sdelay $0x3  }
0x94: {  	_ =	strace s2  }
0x95: {  	s2 =	sld [smem:$0x3FFD];
	_ =	sdelay $0x3  }
0x96: {  	_ =	strace s2  }
0x97: {  	_ =	strace $0x8FFFFFFF  }
0x98: {  	s18 =	sld [smem:$0x3FDB];
	_ =	sdelay $0x1  }
0x99: {  	s19 =	simm.s32 $_scs_section_size  }
0x9a: {  	s4 =	simm.s32 $_size__tile_overlayer_lowered;
	s5 =	simm.s32 $_tile_overlayer_lowered  }
0x9b: {  	s22 =	simm.s32 $0x1BFF;
	s21 =	sshll.u32 s5, $0x1;
	s2 =	sadd.s32 s19, s18  }
0x9c: {  	s6 =	simm.s32 $0x0;
	s20 =	sshll.u32 s4, $0x1;
	s4 =	sadd.s32 s21, s2  }
0x9d: {  	[timem:s6], [sflag:s22] =	dma.local [hbm:s4], s20  }
0x9e: {  	_ =	swait.ge [sflag:s22], s20  }
0x9f: {  	s3 =	ssub.s32 $0x0, s20;
	[sflag:s22] =	ssyncset.done $0x0  }
0xa0: {  	[sflag:s22] =	ssyncadd.s32 s3;
	_ =	sdelay $0x1  }
0xa1: {  	s23 =	simm.s32 $0x1B8B  }
0xa2: {  	_ =	swait.ge [sflag:s23], $0x1  }
0xa3: {  	[sflag:s23] =	ssyncset.done $0x0  }
0xa4: {  	s25 =	simm.s32 $0x1B8E;
	s24 =	sld [smem:$0x3FFE];
	[sflag:s23] =	ssyncadd.s32 $0xFFFFFFFF  }
0xa5: {  	s26 =	simm.s32 $execute0_lowered;
	[smem:$0x3FD2] =	sst s25  }
0xa6: {  	s4 =	sshll.u32 s26, $0x1;
	_ =	strace $0x80000049;
	[dreg:$0x1] =	wrdreg $0xFFFFFFFF  }
0xa7: {  	s28 =	simm.s32 $_size_execute0_lowered;
	s2 =	sadd.s32 s2, s4;
	[dreg:$0x0] =	wrdreg $0x0  }
0xa8: {  	s4 =	sshll.u32 s28, $0x1;
	[dreg:$0x2] =	wrdreg s2  }
0xa9: {  	[dreg:$0x3] =	wrdreg s4  }
0xaa: {  	[dreg:$0x4] =	wrdreg $0xC0  }
0xab: {  	_ =	task [dreg:s6], $0x5FFFF  }
0xac: {  	[dreg:$0x1] =	wrdreg $0xFFFFFFFF  }
0xad: {  	[dreg:$0x0] =	wrdreg $0x60  }
0xae: {  	[dreg:$0x2] =	wrdreg s24  }
0xaf: {  	[dreg:$0x3] =	wrdreg $0x6C000  }
0xb0: {  	[dreg:$0x4] =	wrdreg $0x9  }
0xb1: {  	_ =	task.clear_ibuf [dreg:s6], $0x5FFFF;
	_ =	strace $0x90000049  }
0xb2: {  	s29 =	simm.s32 $0x9;
	_ =	strace $0x8000004B  }
0xb3: {  	_ =	swait.ge [sflag:s29], $0x1  }
0xb4: {  	[sflag:s29] =	ssyncadd.s32 $0xFFFFFFFF  }
0xb5: {  	_ =	strace $0x9000004B  }
0xb6: {  	_ =	sfence  }
0xb7: {  	s30 =	sld [smem:$0x0];
	_ =	sdelay $0x2  }
0xb8: {  	s31 =	sshll.u32 s1, $0xD;
	s1 =	sshrl.u32 s1, $0x2  }
0xb9: {  	s3 =	sand.u32 $0x4000, s31;
	s1 =	sadd.s32 s1, s30  }
0xba: {  	s0 =	sor.u32 s3, s0;
	s1 =	sshll.u32 s1, $0x11  }
0xbb: {  	s0 =	sor.u32 s1, s0  }
0xbc: {  	s0 =	sadd.s32 $0x8F2B, s0  }
0xbd: {  	[sflag:s0] =	ssyncadd.remote.s32 $0x1  }
0xbe: {  	_ =	sfence.sel $0xFFFF  }
0xbf: {  	[dreg:$0x0] =	wrdreg $0xFFFFFFFF;
	(pc) =	sbr.abs _section_cstart, $3  }
0xc0: {  	[dreg:$0x1] =	wrdreg $0xFFFFFFFF  }
0xc1: {  	_ =	task.clear_ibuf [dreg:s6], $0x2FFFF;
	_ =	strace $0x9FFFFFFF  }
0xc2: {  	(tm) =	ssettm $0x7FFFFFFF  }
0xc3: {  	_ =	shalt  }
tec
execute0_lowered:
.L_overlay_start_1:
0x0: {  	(tag) =	ssettag $0x1  }
0x1: {  	s5 =	rddreg [dreg:$0x0]  }
0x2: {  	s1 =	rddreg [dreg:$0x1]  }
0x3: {  	s0 =	rddreg [dreg:$0x2];
	s2 =	simm.s32 $0x0  }
0x4: {  	s3 =	srdreg.scid;
	s16 =	simm.s32 $0x2800;
	s17 =	simm.s32 $0x2  }
0x5: {  	s18 =	simm.s32 $0x80;
	s19 =	simm.s32 $0x2C00;
	s20 =	simm.s32 $0x2880  }
0x6: {  	s21 =	simm.s32 $0x2900;
	s22 =	simm.s32 $0x2980;
	s23 =	simm.s32 $0x2A00  }
0x7: {  	s24 =	simm.s32 $0x1400;
	s25 =	simm.s32 $0x1;
	[smem:$0x7FF] =	sst s2  }
0x8: {  	s6 =	sand.u32 $0x1, s3;
	s3 =	stileid.u32;
	s4 =	sadd.s32 $0x66000, s5  }
0x9: {  	s10 =	sadd.s32 $0x5C000, s5;
	s11 =	sadd.s32 $0x2800, s5;
	s7 =	smul.u32 $0x13C000, s6  }
0xa: {  	_ =	strace $0x8000004A;
	s8 =	smul.u32 $0x13C00, s3;
	s9 =	sshll.u32 s3, $0x1  }
0xb: {  	s12 =	sshll.u32 s3, $0x7;
	s9 =	sor.u32 s6, s9;
	s6 =	ssub.s32 $0x2, s6  }
0xc: {  	s7 =	sadd.s32 s8, s7;
	s26 =	smul.u32 $0x2800, s9;
	s29 =	sshrl.u32 s6, $0x1  }
0xd: {  	s28 =	sadd.s32 s12, s5;
	s7 =	sshrl.u32 s7, $0x3;
	s15 =	ssub.s32 s6, s29  }
0xe: {  	s14 =	sadd.s32 s7, s5;
	s30 =	sshrl.u32 s26, $0x3;
	s5 =	sadd.s32 $0xC800, s28  }
0xf: {  	s15 =	smax.u32 s15, $0x1;
	s26 =	simm.s32 $0x0;
	s31 =	sadd.s32 $0x280, s30  }
0x10: {  	s6 =	sadd.s32 s10, s30;
	s7 =	sadd.s32 s11, s30;
	s12 =	sadd.s32 $0x8E200, s14  }
0x11: {  	s13 =	sadd.s32 $0x8EA00, s14;
	s8 =	sadd.s32 s10, s31;
	s9 =	sadd.s32 s11, s31  }
0x12: {  	v0 =	vimm.f32 $0.0e+00;
	s10 =	sadd.s32 $0x8D200, s14;
	s11 =	sadd.s32 $0x8DA00, s14;
	s14 =	sadd.s32 $0x8F180, s14  }
.LBB2_1:
0x13: {  	s28 =	sand.u32 $0xFE00, s2  }
0x14: {  	s29 =	sand.u32 $0x70, s2;
	s30 =	sshrl.u32 s28, $0x2  }
0x15: {  	s28 =	simm.s32 $0x40;
	s30 =	sor.u32 s29, s30;
	s29 =	simm.s32 $0x0  }
.LBB2_2:
0x16: {  	p0 =	sne.s32 s28, $0xFFC0  }
0x17: {  	[tilespmem:s30+$0x2C00] =	vst v0;
	s29 =	sadd.s32 $0x10, s29;
	s30 =	smov.u32 s28;
	s28 =	sadd.s32 $0x40, s28  }
.Ltmp0:
0x18: {  	(pc) =	sbr.rel @p0 .LBB2_2-.Ltmp0, $4  }
0x19: {  	_ = 	snop  }
0x1a: {  	s30 =	sand.u32 $0xFE00, s30  }
0x1b: {  	s31 =	sand.u32 $0x70, s29;
	s30 =	sshrl.u32 s30, $0x2  }
0x1c: {  	s30 =	sor.u32 s31, s30  }
0x1d: {  	[tilespmem:s30+$0x2C00] =	vst v0;
	s28 =	simm.s32 $0x0  }
0x1e: {  	[tilespmem:s16], [sflag:$0x2] =	stream.linear.gather [hbm4b:s5+s28], $0x280, $0x38;
	[tilespmem:$0x1A800] =	vst v63  }
0x1f: {  	_ =	swait.ge [sflag:s17], $0x280  }
0x20: {  	[sflag:s17] =	ssyncset.done $0x0  }
0x21: {  	[sflag:s17] =	ssyncadd.s32 $0xFFFFFD80  }
0x22: {  	[spmem:s1] =	stream.indirect.scatter [tilespmem:s19], [sflag:$0x2], $0x80, s16, s18, $0xb8;
	[tilespmem:$0x1A800] =	vst v63  }
0x23: {  	_ =	swait.ge [sflag:s17], $0x4000  }
0x24: {  	[sflag:s17] =	ssyncset.done $0x0  }
0x25: {  	[sflag:s17] =	ssyncadd.s32 $0xFFFFC000  }
0x26: {  	[spmem:s1] =	stream.indirect.scatter [tilespmem:s19], [sflag:$0x2], $0x80, s20, s18, $0xb8;
	[tilespmem:$0x1A800] =	vst v63  }
0x27: {  	_ =	swait.ge [sflag:s17], $0x4000  }
0x28: {  	[sflag:s17] =	ssyncset.done $0x0  }
0x29: {  	[sflag:s17] =	ssyncadd.s32 $0xFFFFC000  }
0x2a: {  	[spmem:s1] =	stream.indirect.scatter [tilespmem:s19], [sflag:$0x2], $0x80, s21, s18, $0xb8;
	[tilespmem:$0x1A800] =	vst v63  }
0x2b: {  	_ =	swait.ge [sflag:s17], $0x4000  }
0x2c: {  	[sflag:s17] =	ssyncset.done $0x0  }
0x2d: {  	[sflag:s17] =	ssyncadd.s32 $0xFFFFC000  }
0x2e: {  	[spmem:s1] =	stream.indirect.scatter [tilespmem:s19], [sflag:$0x2], $0x80, s22, s18, $0xb8;
	[tilespmem:$0x1A800] =	vst v63  }
0x2f: {  	_ =	swait.ge [sflag:s17], $0x4000  }
0x30: {  	[sflag:s17] =	ssyncset.done $0x0  }
0x31: {  	[sflag:s17] =	ssyncadd.s32 $0xFFFFC000  }
0x32: {  	[spmem:s1] =	stream.indirect.scatter [tilespmem:s19], [sflag:$0x2], $0x80, s23, s18, $0xb8;
	[tilespmem:$0x1A800] =	vst v63  }
0x33: {  	_ =	swait.ge [sflag:s17], $0x4000  }
0x34: {  	[sflag:s17] =	ssyncset.done $0x0  }
0x35: {  	[sflag:s17] =	ssyncadd.s32 $0xFFFFC000  }
0x36: {  	[bflag:$0x0] =	sbarrier.arrive $0xFFFF  }
0x37: {  	[tilespmem:s28], [sflag:$0x2] =	stream.linear.gather [hbm4b:s6+s28], $0x1400, $0x38;
	[tilespmem:$0x1A800] =	vst v63  }
0x38: {  	_ =	swait.ge [sflag:s17], $0x1400  }
0x39: {  	[sflag:s17] =	ssyncset.done $0x0  }
0x3a: {  	[sflag:s17] =	ssyncadd.s32 $0xFFFFEC00  }
0x3b: {  	[tilespmem:s24], [sflag:$0x2] =	stream.linear.gather [hbm4b:s7+s28], $0x1400, $0x38;
	[tilespmem:$0x1A800] =	vst v63  }
0x3c: {  	_ =	swait.ge [sflag:s17], $0x1400  }
0x3d: {  	[sflag:s17] =	ssyncset.done $0x0  }
0x3e: {  	s28 =	simm.s32 $0x0;
	[sflag:s17] =	ssyncadd.s32 $0xFFFFEC00  }
0x3f: {  	[tilespmem:s19], [sflag:$0x1] =	stream.indirect.gather [hbm4b:s4+s18], $0x80, s28, s18, $0xb8;
	[tilespmem:$0x1A800] =	vst v63  }
0x40: {  	_ =	swait.ge [sflag:s25], $0x4000  }
0x41: {  	[sflag:s25] =	ssyncset.done $0x0  }
0x42: {  	s28 =	simm.s32 $0x1400;
	[sflag:s25] =	ssyncadd.s32 $0xFFFFC000  }
0x43: {  	[spmem:s1] =	stream.indirect.scatter.add.f32 [tilespmem:s19], [sflag:$0x2], $0x80, s28, s18, $0xb8;
	[tilespmem:$0x1A800] =	vst v63  }
0x44: {  	_ =	swait.ge [sflag:s17], $0x4000  }
0x45: {  	s29 =	simm.s32 $0x400;
	s28 =	simm.s32 $0x200;
	[sflag:s17] =	ssyncset.done $0x0  }
.LBB2_4:
0x46: {  	s30 =	sshra.s32 s28, $0x2  }
0x47: {  	[sflag:s17] =	ssyncadd.s32 $0xFFFFC000;
	s28 =	smov.u32 s29;
	s31 =	sadd.s32 $0x200, s29  }
0x48: {  	[tilespmem:s19], [sflag:$0x1] =	stream.indirect.gather [hbm4b:s4+s18], $0x80, s30, s18, $0xb8;
	[tilespmem:$0x1A800] =	vst v63  }
0x49: {  	p0 =	sne.s32 s29, $0x4E00;
	_ =	swait.ge [sflag:s25], $0x4000  }
.Ltmp1:
0x4a: {  	[sflag:s25] =	ssyncset.done $0x0;
	(pc) =	sbr.rel @p0 .LBB2_4-.Ltmp1, $4  }
0x4b: {  	s29 =	sadd.s32 $0x1400, s30;
	[sflag:s25] =	ssyncadd.s32 $0xFFFFC000  }
0x4c: {  	[spmem:s1] =	stream.indirect.scatter.add.f32 [tilespmem:s19], [sflag:$0x2], $0x80, s29, s18, $0xb8;
	[tilespmem:$0x1A800] =	vst v63  }
0x4d: {  	_ =	swait.ge [sflag:s17], $0x4000  }
0x4e: {  	s29 =	smov.u32 s31;
	[sflag:s17] =	ssyncset.done $0x0  }
0x4f: {  	s28 =	sshra.s32 s28, $0x2;
	[sflag:s17] =	ssyncadd.s32 $0xFFFFC000  }
0x50: {  	[tilespmem:s19], [sflag:$0x1] =	stream.indirect.gather [hbm4b:s4+s18], $0x80, s28, s18, $0xb8;
	[tilespmem:$0x1A800] =	vst v63  }
0x51: {  	_ =	swait.ge [sflag:s25], $0x4000  }
0x52: {  	[sflag:s25] =	ssyncset.done $0x0  }
0x53: {  	s28 =	sadd.s32 $0x1400, s28;
	[sflag:s25] =	ssyncadd.s32 $0xFFFFC000  }
0x54: {  	[spmem:s1] =	stream.indirect.scatter.add.f32 [tilespmem:s19], [sflag:$0x2], $0x80, s28, s18, $0xb8;
	[tilespmem:$0x1A800] =	vst v63  }
0x55: {  	_ =	swait.ge [sflag:s17], $0x4000  }
0x56: {  	[sflag:s17] =	ssyncset.done $0x0  }
0x57: {  	s28 =	simm.s32 $0x0;
	[sflag:s17] =	ssyncadd.s32 $0xFFFFC000  }
0x58: {  	[tilespmem:s28], [sflag:$0x2] =	stream.linear.gather [hbm4b:s8+s28], $0x1400, $0x38;
	[tilespmem:$0x1A800] =	vst v63  }
0x59: {  	_ =	swait.ge [sflag:s17], $0x1400  }
0x5a: {  	[sflag:s17] =	ssyncset.done $0x0  }
0x5b: {  	[sflag:s17] =	ssyncadd.s32 $0xFFFFEC00  }
0x5c: {  	[tilespmem:s24], [sflag:$0x2] =	stream.linear.gather [hbm4b:s9+s28], $0x1400, $0x38;
	[tilespmem:$0x1A800] =	vst v63  }
0x5d: {  	_ =	swait.ge [sflag:s17], $0x1400  }
0x5e: {  	[sflag:s17] =	ssyncset.done $0x0  }
0x5f: {  	s28 =	simm.s32 $0x0;
	[sflag:s17] =	ssyncadd.s32 $0xFFFFEC00  }
0x60: {  	[tilespmem:s19], [sflag:$0x1] =	stream.indirect.gather [hbm4b:s4+s18], $0x80, s28, s18, $0xb8;
	[tilespmem:$0x1A800] =	vst v63  }
0x61: {  	_ =	swait.ge [sflag:s25], $0x4000  }
0x62: {  	[sflag:s25] =	ssyncset.done $0x0  }
0x63: {  	s28 =	simm.s32 $0x1400;
	[sflag:s25] =	ssyncadd.s32 $0xFFFFC000  }
0x64: {  	[spmem:s1] =	stream.indirect.scatter.add.f32 [tilespmem:s19], [sflag:$0x2], $0x80, s28, s18, $0xb8;
	[tilespmem:$0x1A800] =	vst v63  }
0x65: {  	_ =	swait.ge [sflag:s17], $0x4000  }
0x66: {  	s29 =	simm.s32 $0x400;
	s28 =	simm.s32 $0x200;
	[sflag:s17] =	ssyncset.done $0x0  }
.LBB2_6:
0x67: {  	s30 =	sshra.s32 s28, $0x2  }
0x68: {  	[sflag:s17] =	ssyncadd.s32 $0xFFFFC000;
	s28 =	smov.u32 s29;
	s31 =	sadd.s32 $0x200, s29  }
0x69: {  	[tilespmem:s19], [sflag:$0x1] =	stream.indirect.gather [hbm4b:s4+s18], $0x80, s30, s18, $0xb8;
	[tilespmem:$0x1A800] =	vst v63  }
0x6a: {  	p0 =	sne.s32 s29, $0x4E00;
	_ =	swait.ge [sflag:s25], $0x4000  }
.Ltmp2:
0x6b: {  	[sflag:s25] =	ssyncset.done $0x0;
	(pc) =	sbr.rel @p0 .LBB2_6-.Ltmp2, $4  }
0x6c: {  	s29 =	sadd.s32 $0x1400, s30;
	[sflag:s25] =	ssyncadd.s32 $0xFFFFC000  }
0x6d: {  	[spmem:s1] =	stream.indirect.scatter.add.f32 [tilespmem:s19], [sflag:$0x2], $0x80, s29, s18, $0xb8;
	[tilespmem:$0x1A800] =	vst v63  }
0x6e: {  	_ =	swait.ge [sflag:s17], $0x4000  }
0x6f: {  	s29 =	smov.u32 s31;
	[sflag:s17] =	ssyncset.done $0x0  }
0x70: {  	s28 =	sshra.s32 s28, $0x2;
	[sflag:s17] =	ssyncadd.s32 $0xFFFFC000  }
0x71: {  	[tilespmem:s19], [sflag:$0x1] =	stream.indirect.gather [hbm4b:s4+s18], $0x80, s28, s18, $0xb8;
	[tilespmem:$0x1A800] =	vst v63  }
0x72: {  	_ =	swait.ge [sflag:s25], $0x4000  }
0x73: {  	[sflag:s25] =	ssyncset.done $0x0  }
0x74: {  	s28 =	sadd.s32 $0x1400, s28;
	[sflag:s25] =	ssyncadd.s32 $0xFFFFC000  }
0x75: {  	[spmem:s1] =	stream.indirect.scatter.add.f32 [tilespmem:s19], [sflag:$0x2], $0x80, s28, s18, $0xb8;
	[tilespmem:$0x1A800] =	vst v63  }
0x76: {  	_ =	swait.ge [sflag:s17], $0x4000  }
0x77: {  	[sflag:s17] =	ssyncset.done $0x0  }
0x78: {  	[sflag:s17] =	ssyncadd.s32 $0xFFFFC000  }
0x79: {  	[bflag:$0x0] =	sbarrier.arrive $0xFFFF  }
0x7a: {  	[tilespmem:s19], [sflag:$0x1] =	stream.indirect.gather [spmem:s1], $0x80, s16, s18, $0xb8;
	[tilespmem:$0x1A800] =	vst v63  }
0x7b: {  	_ =	swait.ge [sflag:s25], $0x4000  }
0x7c: {  	[sflag:s25] =	ssyncset.done $0x0  }
0x7d: {  	[sflag:s25] =	ssyncadd.s32 $0xFFFFC000  }
0x7e: {  	[hbm4b:s10+s2] =	stream.linear.scatter [tilespmem:s19], [sflag:$0x2], $0x4000, $0x38;
	[tilespmem:$0x1A800] =	vst v63  }
0x7f: {  	_ =	swait.ge [sflag:s17], $0x4000  }
0x80: {  	[sflag:s17] =	ssyncset.done $0x0  }
0x81: {  	[sflag:s17] =	ssyncadd.s32 $0xFFFFC000  }
0x82: {  	[tilespmem:s19], [sflag:$0x1] =	stream.indirect.gather [spmem:s1], $0x80, s20, s18, $0xb8;
	[tilespmem:$0x1A800] =	vst v63  }
0x83: {  	_ =	swait.ge [sflag:s25], $0x4000  }
0x84: {  	[sflag:s25] =	ssyncset.done $0x0  }
0x85: {  	[sflag:s25] =	ssyncadd.s32 $0xFFFFC000  }
0x86: {  	[hbm4b:s11+s2] =	stream.linear.scatter [tilespmem:s19], [sflag:$0x2], $0x4000, $0x38;
	[tilespmem:$0x1A800] =	vst v63  }
0x87: {  	_ =	swait.ge [sflag:s17], $0x4000  }
0x88: {  	[sflag:s17] =	ssyncset.done $0x0  }
0x89: {  	[sflag:s17] =	ssyncadd.s32 $0xFFFFC000  }
0x8a: {  	[tilespmem:s19], [sflag:$0x1] =	stream.indirect.gather [spmem:s1], $0x80, s21, s18, $0xb8;
	[tilespmem:$0x1A800] =	vst v63  }
0x8b: {  	_ =	swait.ge [sflag:s25], $0x4000  }
0x8c: {  	[sflag:s25] =	ssyncset.done $0x0  }
0x8d: {  	[sflag:s25] =	ssyncadd.s32 $0xFFFFC000  }
0x8e: {  	[hbm4b:s12+s2] =	stream.linear.scatter [tilespmem:s19], [sflag:$0x2], $0x4000, $0x38;
	[tilespmem:$0x1A800] =	vst v63  }
0x8f: {  	_ =	swait.ge [sflag:s17], $0x4000  }
0x90: {  	[sflag:s17] =	ssyncset.done $0x0  }
0x91: {  	[sflag:s17] =	ssyncadd.s32 $0xFFFFC000  }
0x92: {  	[tilespmem:s19], [sflag:$0x1] =	stream.indirect.gather [spmem:s1], $0x80, s22, s18, $0xb8;
	[tilespmem:$0x1A800] =	vst v63  }
0x93: {  	_ =	swait.ge [sflag:s25], $0x4000  }
0x94: {  	[sflag:s25] =	ssyncset.done $0x0  }
0x95: {  	[sflag:s25] =	ssyncadd.s32 $0xFFFFC000  }
0x96: {  	[hbm4b:s13+s2] =	stream.linear.scatter [tilespmem:s19], [sflag:$0x2], $0x4000, $0x38;
	[tilespmem:$0x1A800] =	vst v63  }
0x97: {  	_ =	swait.ge [sflag:s17], $0x4000  }
0x98: {  	[sflag:s17] =	ssyncset.done $0x0  }
0x99: {  	[sflag:s17] =	ssyncadd.s32 $0xFFFFC000  }
0x9a: {  	[tilespmem:s19], [sflag:$0x1] =	stream.indirect.gather [spmem:s1], $0x80, s23, s18, $0xb8;
	[tilespmem:$0x1A800] =	vst v63  }
0x9b: {  	s26 =	sadd.s32 $0x1, s26;
	_ =	swait.ge [sflag:s25], $0x4000  }
0x9c: {  	p0 =	sne.s32 s26, s15;
	[sflag:s25] =	ssyncset.done $0x0  }
.Ltmp3:
0x9d: {  	[sflag:s25] =	ssyncadd.s32 $0xFFFFC000;
	(pc) =	sbr.rel @p0 .LBB2_1-.Ltmp3, $4  }
0x9e: {  	[hbm4b:s14+s2] =	stream.linear.scatter [tilespmem:s19], [sflag:$0x2], $0x4000, $0x38;
	[tilespmem:$0x1A800] =	vst v63  }
0x9f: {  	_ =	swait.ge [sflag:s17], $0x4000  }
0xa0: {  	[sflag:s17] =	ssyncset.done $0x0  }
0xa1: {  	[sflag:s17] =	ssyncadd.s32 $0xFFFFC000  }
0xa2: {  	_ =	sfence.sel $0x180000  }
0xa3: {  	[bflag:$0x0] =	sbarrier.arrive $0xFFFF  }
0xa4: {  	p0 =	sne.s32 s3, $0x0;
	_ =	strace $0x9000004A  }
0xa5: {  	s0 =	sadd.s32 @!p0 $0x100000, s0;
	[bflag:$0x2] =	sbarrier.arrive $0xFFFF  }
0xa6: {  	[sflag:s0] =	ssyncadd.tile.s32 @!p0 $0x1;
	_ =	shalt  }
.Lfunc_end2:
_tile_overlayer_lowered:
.L_overlay_start_2:
0xa7: {  	(tag) =	ssettag $0x2  }
0xa8: {  	s0 =	rddreg [dreg:$0x0];
	s2 =	stileid.u32  }
0xa9: {  	s1 =	rddreg [dreg:$0x1];
	p0 =	sne.s32 s2, $0x0  }
0xaa: {  	s3 =	rddreg [dreg:$0x2];
	[bflag:$0x3] =	sbarrier.arrive $0xFFFF;
	s2 =	simm.s32 @!p0 $0x1C02  }
0xab: {  	[timem:s3], [sflag:s2] =	dma.local @!p0 [hbm:s0], s1  }
0xac: {  	s0 =	simm.s32 @!p0 $0x2  }
0xad: {  	_ =	swait.ge @!p0 [sflag:s0], s1  }
0xae: {  	s1 =	ssub.s32 @!p0 $0x0, s1;
	[sflag:s0] =	ssyncset.done @!p0 $0x0  }
0xaf: {  	[sflag:s0] =	ssyncadd.s32 @!p0 s1  }
0xb0: {  	[bflag:$0x3] =	sbarrier.arrive $0xFFFF  }
0xb1: {  	_ =	shalt  }

</sc_bundles>
